<compile_context>
chip_gen: v7x
topology: tpu7x:2x2x1
jax: 0.10.2.dev20260603
libtpu: 0.0.44.dev20260713+nightly
codegen_flags: <defaults>
</compile_context>

<pallas_src>
import jax
import jax.numpy as jnp
from jax import lax
from jax.experimental import pallas as pl
from jax.experimental.pallas import tpu as pltpu
from jax.experimental.pallas import tpu_sc as plsc

_B = 4096
_O = 16384
_IN = 1024
_L = 16
_NC = 2
_NS = 16
_NW = _NC * _NS
_BSC = 2048
_BTC = _B - _BSC
_R = _BSC // _NW
_SB = 32
_NSB = _R // _SB
_NBLK = 512
_NB = _O // _NBLK
_CH = _NBLK // _L
_NG = _NSB * _NB
_TCB = 512


def _coef_body(wt_ref, p_ref, q_ref, r_ref, s_ref):
    w = wt_ref[...]
    m = jnp.max(w, axis=0, keepdims=True)
    e = jnp.exp(w - m)
    sm = e / jnp.sum(e, axis=0, keepdims=True)

    def r(i):
        return sm[i:i + 1]

    c0 = r(8) + r(9) + r(10) + r(11) + r(12) + r(13) + r(14) + r(15)
    ca = r(2) + r(3) + r(6) + r(7) - r(8) - r(9) - r(12) - r(13)
    cb = r(4) + r(5) + r(6) + r(7) - r(8) - r(9) - r(10) - r(11)
    cab = (r(1) - r(2) - r(4) - 2.0 * r(6) - r(7) + r(8)
           + 2.0 * r(9) + r(11) + r(13) - r(14))
    eps = 1e-3
    q = jnp.where(cab >= 0.0, jnp.maximum(cab, eps), jnp.minimum(cab, -eps))
    p = cb / q
    p_ref[...] = p
    q_ref[...] = q
    r_ref[...] = ca
    s_ref[...] = c0 - ca * p


def _coefs(weights):
    wt = weights.T
    shp = jax.ShapeDtypeStruct((1, _O), jnp.float32)
    return pl.pallas_call(_coef_body, out_shape=(shp, shp, shp, shp))(wt)


def _sc_body(x_hbm, ia_hbm, ib_hbm, c0_hbm, ca_hbm, cb_hbm, cab_hbm, out_hbm,
             xbuf, iabuf, ibbuf, k0buf, kabuf, kbbuf, kabbuf, obuf,
             in_sem, out_sem, x_sem):
    wid = lax.axis_index("s") * _NC + lax.axis_index("c")
    row0 = wid * _R
    mbufs = (iabuf, ibbuf, k0buf, kabuf, kbbuf, kabbuf)

    def meta_copies(g, par):
        blk = lax.rem(g, _NB)
        srcs = (ia_hbm, ib_hbm, c0_hbm, ca_hbm, cb_hbm, cab_hbm)
        return [pltpu.make_async_copy(
            s.at[pl.ds(blk * _NBLK, _NBLK)], d.at[par], in_sem)
            for s, d in zip(srcs, mbufs)]

    def x_copy(sb, par):
        rbase = row0 + sb * _SB
        return pltpu.make_async_copy(
            x_hbm.at[pl.ds(rbase * _IN, _SB * _IN)],
            xbuf.at[pl.ds(par * _SB * _IN, _SB * _IN)], x_sem)

    def out_copy(g, par):
        blk = lax.rem(g, _NB)
        rbase = row0 + lax.div(g, _NB) * _SB
        return pltpu.make_async_copy(
            obuf.at[par],
            out_hbm.at[pl.ds(rbase, _SB), pl.ds(blk * _NBLK, _NBLK)],
            out_sem)

    for cp in meta_copies(0, 0):
        cp.start()
    x_copy(0, 0).start()

    def g_body(g, carry):
        par = lax.rem(g, 2)
        par3 = lax.rem(g, 3)
        blk = lax.rem(g, _NB)
        sb = lax.div(g, _NB)
        xpar = lax.rem(sb, 2)

        @pl.when(blk == 0)
        def _():
            x_copy(sb, xpar).wait()

        @pl.when((blk == _NB - 1) & (sb + 1 < _NSB))
        def _():
            x_copy(sb + 1, 1 - xpar).start()

        for cp in meta_copies(g, par):
            cp.wait()

        @pl.when(g + 1 < _NG)
        def _():
            for cp in meta_copies(g + 1, 1 - par):
                cp.start()

        @pl.when(g >= 3)
        def _():
            out_copy(g, par3).wait()

        def ch_body(c, carry):
            cols = [(c * 2 + j) * _L for j in range(2)]
            meta = []
            for col in cols:
                meta.append((iabuf[par, pl.ds(col, _L)],
                             ibbuf[par, pl.ds(col, _L)],
                             k0buf[par, pl.ds(col, _L)],
                             kabuf[par, pl.ds(col, _L)],
                             kbbuf[par, pl.ds(col, _L)],
                             kabbuf[par, pl.ds(col, _L)]))

            @plsc.parallel_loop(0, _SB, unroll=8)
            def row_body(rr):
                xrow = xbuf.at[pl.ds(xpar * (_SB * _IN) + rr * _IN, _IN)]
                for col, (ia, ib, kp, kq, kr, ks) in zip(cols, meta):
                    a = plsc.load_gather(xrow, [ia])
                    b = plsc.load_gather(xrow, [ib])
                    obuf[par3, rr, pl.ds(col, _L)] = ((a + kp)
                                                      * (kq * b + kr) + ks)

            return carry

        lax.fori_loop(0, _CH // 2, ch_body, 0)
        out_copy(g, par3).start()
        return carry

    lax.fori_loop(0, _NG, g_body, 0)
    out_copy(_NG - 3, (_NG - 3) % 3).wait()
    out_copy(_NG - 2, (_NG - 2) % 3).wait()
    out_copy(_NG - 1, (_NG - 1) % 3).wait()


def _sc_call(x, c0, ca, cb, cab, idx_a, idx_b):
    mesh = plsc.VectorSubcoreMesh(core_axis_name="c", subcore_axis_name="s",
                                  num_cores=_NC, num_subcores=_NS)
    mshape = pltpu.VMEM((2, _NBLK), jnp.float32)
    run = pl.kernel(
        _sc_body,
        out_type=jax.ShapeDtypeStruct((_B, _O), jnp.float32),
        mesh=mesh,
        compiler_params=pltpu.CompilerParams(needs_layout_passes=False),
        scratch_types=[
            pltpu.VMEM((2 * _SB * _IN,), jnp.float32),
            pltpu.VMEM((2, _NBLK), jnp.int32),
            pltpu.VMEM((2, _NBLK), jnp.int32),
            mshape, mshape, mshape, mshape,
            pltpu.VMEM((3, _SB, _NBLK), jnp.float32),
            pltpu.SemaphoreType.DMA,
            pltpu.SemaphoreType.DMA,
            pltpu.SemaphoreType.DMA,
        ],
    )
    return run(x.reshape(_B * _IN), idx_a, idx_b,
               c0.reshape(_O), ca.reshape(_O), cb.reshape(_O), cab.reshape(_O))


def _tc_body(x_ref, ia_ref, ib_ref, c0_ref, ca_ref, cb_ref, cab_ref,
             out_ref, xhi_ref):
    @pl.when(pl.program_id(0) == 0)
    def _():
        xhi_ref[...] = x_ref[...].astype(jnp.bfloat16)

    ia = ia_ref[0, 0, :]
    ib = ib_ref[0, 0, :]
    iota = lax.broadcasted_iota(jnp.int32, (_IN, _TCB), 0)
    pa = (iota == ia[None, :]).astype(jnp.bfloat16)
    pb = (iota == ib[None, :]).astype(jnp.bfloat16)
    xhi = xhi_ref[...]
    a = jnp.dot(xhi, pa, preferred_element_type=jnp.float32)
    b = jnp.dot(xhi, pb, preferred_element_type=jnp.float32)
    kp = c0_ref[...]
    kq = ca_ref[...]
    kr = cb_ref[...]
    ks = cab_ref[...]
    out_ref[...] = ((a + kp) * (kq * b + kr) + ks).astype(jnp.bfloat16)


def _tc_call(x, c0, ca, cb, cab, idx_a, idx_b):
    ia3 = idx_a.reshape(_O // _TCB, 1, _TCB)
    ib3 = idx_b.reshape(_O // _TCB, 1, _TCB)
    coef_spec = pl.BlockSpec((1, _TCB), lambda i: (0, i))
    return pl.pallas_call(
        _tc_body,
        grid=(_O // _TCB,),
        in_specs=[
            pl.BlockSpec((_BTC, _IN), lambda i: (_BSC // _BTC, 0)),
            pl.BlockSpec((1, 1, _TCB), lambda i: (i, 0, 0)),
            pl.BlockSpec((1, 1, _TCB), lambda i: (i, 0, 0)),
            coef_spec, coef_spec, coef_spec, coef_spec,
        ],
        out_specs=pl.BlockSpec((_BTC, _TCB), lambda i: (0, i)),
        out_shape=jax.ShapeDtypeStruct((_BTC, _O), jnp.bfloat16),
        scratch_shapes=[pltpu.VMEM((_BTC, _IN), jnp.bfloat16)],
    )(x, ia3, ib3, c0, ca, cb, cab)


@jax.jit
def kernel(x, weights, idx_a, idx_b):
    c0, ca, cb, cab = _coefs(weights)
    out_sc = _sc_call(x, c0, ca, cb, cab, idx_a, idx_b)
    out_tc = _tc_call(x, c0, ca, cb, cab, idx_a, idx_b)
    return lax.dynamic_update_slice(out_sc, out_tc.astype(jnp.float32),
                                    (_BSC, 0))

# --- scband reference (transcript-rebuilt; emitter-appended) ---
"""Pipeline reference for scband-logic-layer-52536039964873 (READ-ONLY COPY).

The authoritative reference and input builder live on the scoring server;
editing this copy changes nothing except your own understanding.
"""

import jax, jax.numpy as jnp
import numpy as np

IN_DIM = 1024
OUT_DIM = 16384
BATCH = 4096
TEMP = 1.0


def setup_inputs(seed: int = 0) -> dict:
    key = jax.random.key(seed)
    k1, k2, k3, k4 = jax.random.split(key, 4)
    x = jax.random.uniform(k1, (BATCH, IN_DIM), dtype=jnp.float32)
    weights = jax.random.normal(k2, (OUT_DIM, 16), dtype=jnp.float32)
    # emulate LogicLayer.get_connections('random'):
    # c = randperm(2*out_dim) % in_dim; c = randperm(in_dim)[c]; split into a, b
    c = jax.random.permutation(k3, 2 * OUT_DIM) % IN_DIM
    perm = jax.random.permutation(k4, IN_DIM)
    c = perm[c].reshape(2, OUT_DIM)
    idx_a = c[0].astype(jnp.int32)
    idx_b = c[1].astype(jnp.int32)
    return {"x": x, "weights": weights, "idx_a": idx_a, "idx_b": idx_b}


def bin_op_s(a, b, w):
    # a, b: [B, O]; w: [O, 16] (softmaxed). Accumulate the 16 weighted binary ops
    # incrementally to keep peak memory low. w[:,0]*0 is omitted.
    ab = a * b
    out = jnp.broadcast_to(w[:, 15], a.shape).astype(a.dtype)  # op 15: ones
    out = out + w[:, 1] * ab
    out = out + w[:, 2] * (a - ab)
    out = out + w[:, 3] * a
    out = out + w[:, 4] * (b - ab)
    out = out + w[:, 5] * b
    out = out + w[:, 6] * (a + b - 2.0 * ab)
    out = out + w[:, 7] * (a + b - ab)
    out = out + w[:, 8] * (1.0 - (a + b - ab))
    out = out + w[:, 9] * (1.0 - (a + b - 2.0 * ab))
    out = out + w[:, 10] * (1.0 - b)
    out = out + w[:, 11] * (1.0 - b + ab)
    out = out + w[:, 12] * (1.0 - a)
    out = out + w[:, 13] * (1.0 - a + ab)
    out = out + w[:, 14] * (1.0 - ab)
    return out


def reference(x, weights, idx_a, idx_b):
    # forward_python, training-mode branch (module defaults to training=True)
    a = jnp.take(x, idx_a, axis=-1)
    b = jnp.take(x, idx_b, axis=-1)
    w = jax.nn.softmax(weights / TEMP, axis=-1)
    return bin_op_s(a, b, w)

if __name__ == "__main__":
    import jax
    _d = setup_inputs()
    print(jax.jit(kernel)(*tuple(_d.values())))

</pallas_src>

<mosaic_0001>
#map = affine_map<(d0, d1) -> (0)>
#map1 = affine_map<(d0, d1) -> (0, 0)>
module attributes {stable_mosaic.version = 14 : i64} {
  func.func @_sc_body(%arg0: i32, %arg1: i32, %arg2: memref<4194304xf32, #tpu.memory_space<hbm>>, %arg3: memref<16384xi32, #tpu.memory_space<hbm>>, %arg4: memref<16384xi32, #tpu.memory_space<hbm>>, %arg5: memref<16384xf32, #tpu.memory_space<hbm>>, %arg6: memref<16384xf32, #tpu.memory_space<hbm>>, %arg7: memref<16384xf32, #tpu.memory_space<hbm>>, %arg8: memref<16384xf32, #tpu.memory_space<hbm>>, %arg9: memref<4096x16384xf32, #tpu.memory_space<hbm>>, %arg10: memref<65536xf32, #tpu.memory_space<vmem>>, %arg11: memref<2x512xi32, #tpu.memory_space<vmem>>, %arg12: memref<2x512xi32, #tpu.memory_space<vmem>>, %arg13: memref<2x512xf32, #tpu.memory_space<vmem>>, %arg14: memref<2x512xf32, #tpu.memory_space<vmem>>, %arg15: memref<2x512xf32, #tpu.memory_space<vmem>>, %arg16: memref<2x512xf32, #tpu.memory_space<vmem>>, %arg17: memref<3x32x512xf32, #tpu.memory_space<vmem>>, %arg18: memref<!tpu.dma_semaphore, #tpu.memory_space<semaphore_mem>>, %arg19: memref<!tpu.dma_semaphore, #tpu.memory_space<semaphore_mem>>, %arg20: memref<!tpu.dma_semaphore, #tpu.memory_space<semaphore_mem>>) attributes {dimension_semantics = [#tpu.dimension_semantics<core_parallel>, #tpu.dimension_semantics<subcore_parallel>], iteration_bounds = array<i64: 2, 16>, scalar_prefetch = 0 : i64, scratch_operands = 11 : i64, tpu.core_type = #tpu.core_type<sc_vector_subcore>, window_params = [{transform_indices = #map}, {transform_indices = #map}, {transform_indices = #map}, {transform_indices = #map}, {transform_indices = #map}, {transform_indices = #map}, {transform_indices = #map}, {transform_indices = #map1}]} {
    %mul3A = arith.constant 2 : i32
    %mul3A_0 = arith.muli %arg1, %mul3A : i32
    %add3A = arith.addi %mul3A_0, %arg0 : i32
    %mul3A_1 = arith.constant 64 : i32
    %mul3A_2 = arith.muli %add3A, %mul3A_1 : i32
    %rem3A = arith.constant 0 : i32
    %rem3A_3 = arith.constant 32 : i32
    %rem3A_4 = arith.remsi %rem3A, %rem3A_3 : i32
    %mul3A_5 = arith.constant 512 : i32
    %mul3A_6 = arith.muli %rem3A_4, %mul3A_5 : i32
    %mul3A_7 = arith.constant 512 : i32
    %mul3A_8 = arith.muli %rem3A_4, %mul3A_7 : i32
    %mul3A_9 = arith.constant 512 : i32
    %mul3A_10 = arith.muli %rem3A_4, %mul3A_9 : i32
    %mul3A_11 = arith.constant 512 : i32
    %mul3A_12 = arith.muli %rem3A_4, %mul3A_11 : i32
    %mul3A_13 = arith.constant 512 : i32
    %mul3A_14 = arith.muli %rem3A_4, %mul3A_13 : i32
    %mul3A_15 = arith.constant 512 : i32
    %mul3A_16 = arith.muli %rem3A_4, %mul3A_15 : i32
    %dma_start3A = arith.constant 0 : i32
    %dma_start3A_17 = arith.constant 0 : i32
    %dma_start3A_18 = tpu.memref_slice %arg11[%dma_start3A, %dma_start3A_17] : memref<2x512xi32, #tpu.memory_space<vmem>> -> memref<1x512xi32, #tpu.memory_space<vmem>>
    %dma_start3A_19 = tpu.memref_squeeze %dma_start3A_18 : memref<1x512xi32, #tpu.memory_space<vmem>> -> memref<512xi32, #tpu.memory_space<vmem>>
    %dma_start3A_20 = tpu.memref_slice %arg3[%mul3A_6] : memref<16384xi32, #tpu.memory_space<hbm>> -> memref<512xi32, #tpu.memory_space<hbm>>
    %dma_start3A_21 = arith.constant 0 : i32
    %dma_start3A_22 = tpu.memref_slice %arg11[%dma_start3A, %dma_start3A_21] : memref<2x512xi32, #tpu.memory_space<vmem>> -> memref<1x512xi32, #tpu.memory_space<vmem>>
    %dma_start3A_23 = tpu.memref_squeeze %dma_start3A_22 : memref<1x512xi32, #tpu.memory_space<vmem>> -> memref<512xi32, #tpu.memory_space<vmem>>
    %dma_start3A_24 = tpu.memref_slice %arg3[%mul3A_6] : memref<16384xi32, #tpu.memory_space<hbm>> -> memref<512xi32, #tpu.memory_space<hbm>>
    tpu.enqueue_dma source(%dma_start3A_24 : memref<512xi32, #tpu.memory_space<hbm>>) target(%dma_start3A_23 : memref<512xi32, #tpu.memory_space<vmem>>) target_semaphore(%arg18 : memref<!tpu.dma_semaphore, #tpu.memory_space<semaphore_mem>>)
    %dma_start3A_25 = arith.constant 0 : i32
    %dma_start3A_26 = arith.constant 0 : i32
    %dma_start3A_27 = tpu.memref_slice %arg12[%dma_start3A_25, %dma_start3A_26] : memref<2x512xi32, #tpu.memory_space<vmem>> -> memref<1x512xi32, #tpu.memory_space<vmem>>
    %dma_start3A_28 = tpu.memref_squeeze %dma_start3A_27 : memref<1x512xi32, #tpu.memory_space<vmem>> -> memref<512xi32, #tpu.memory_space<vmem>>
    %dma_start3A_29 = tpu.memref_slice %arg4[%mul3A_8] : memref<16384xi32, #tpu.memory_space<hbm>> -> memref<512xi32, #tpu.memory_space<hbm>>
    %dma_start3A_30 = arith.constant 0 : i32
    %dma_start3A_31 = tpu.memref_slice %arg12[%dma_start3A_25, %dma_start3A_30] : memref<2x512xi32, #tpu.memory_space<vmem>> -> memref<1x512xi32, #tpu.memory_space<vmem>>
    %dma_start3A_32 = tpu.memref_squeeze %dma_start3A_31 : memref<1x512xi32, #tpu.memory_space<vmem>> -> memref<512xi32, #tpu.memory_space<vmem>>
    %dma_start3A_33 = tpu.memref_slice %arg4[%mul3A_8] : memref<16384xi32, #tpu.memory_space<hbm>> -> memref<512xi32, #tpu.memory_space<hbm>>
    tpu.enqueue_dma source(%dma_start3A_33 : memref<512xi32, #tpu.memory_space<hbm>>) target(%dma_start3A_32 : memref<512xi32, #tpu.memory_space<vmem>>) target_semaphore(%arg18 : memref<!tpu.dma_semaphore, #tpu.memory_space<semaphore_mem>>)
    %dma_start3A_34 = arith.constant 0 : i32
    %dma_start3A_35 = arith.constant 0 : i32
    %dma_start3A_36 = tpu.memref_slice %arg13[%dma_start3A_34, %dma_start3A_35] : memref<2x512xf32, #tpu.memory_space<vmem>> -> memref<1x512xf32, #tpu.memory_space<vmem>>
    %dma_start3A_37 = tpu.memref_squeeze %dma_start3A_36 : memref<1x512xf32, #tpu.memory_space<vmem>> -> memref<512xf32, #tpu.memory_space<vmem>>
    %dma_start3A_38 = tpu.memref_slice %arg5[%mul3A_10] : memref<16384xf32, #tpu.memory_space<hbm>> -> memref<512xf32, #tpu.memory_space<hbm>>
    %dma_start3A_39 = arith.constant 0 : i32
    %dma_start3A_40 = tpu.memref_slice %arg13[%dma_start3A_34, %dma_start3A_39] : memref<2x512xf32, #tpu.memory_space<vmem>> -> memref<1x512xf32, #tpu.memory_space<vmem>>
    %dma_start3A_41 = tpu.memref_squeeze %dma_start3A_40 : memref<1x512xf32, #tpu.memory_space<vmem>> -> memref<512xf32, #tpu.memory_space<vmem>>
    %dma_start3A_42 = tpu.memref_slice %arg5[%mul3A_10] : memref<16384xf32, #tpu.memory_space<hbm>> -> memref<512xf32, #tpu.memory_space<hbm>>
    tpu.enqueue_dma source(%dma_start3A_42 : memref<512xf32, #tpu.memory_space<hbm>>) target(%dma_start3A_41 : memref<512xf32, #tpu.memory_space<vmem>>) target_semaphore(%arg18 : memref<!tpu.dma_semaphore, #tpu.memory_space<semaphore_mem>>)
    %dma_start3A_43 = arith.constant 0 : i32
    %dma_start3A_44 = arith.constant 0 : i32
    %dma_start3A_45 = tpu.memref_slice %arg14[%dma_start3A_43, %dma_start3A_44] : memref<2x512xf32, #tpu.memory_space<vmem>> -> memref<1x512xf32, #tpu.memory_space<vmem>>
    %dma_start3A_46 = tpu.memref_squeeze %dma_start3A_45 : memref<1x512xf32, #tpu.memory_space<vmem>> -> memref<512xf32, #tpu.memory_space<vmem>>
    %dma_start3A_47 = tpu.memref_slice %arg6[%mul3A_12] : memref<16384xf32, #tpu.memory_space<hbm>> -> memref<512xf32, #tpu.memory_space<hbm>>
    %dma_start3A_48 = arith.constant 0 : i32
    %dma_start3A_49 = tpu.memref_slice %arg14[%dma_start3A_43, %dma_start3A_48] : memref<2x512xf32, #tpu.memory_space<vmem>> -> memref<1x512xf32, #tpu.memory_space<vmem>>
    %dma_start3A_50 = tpu.memref_squeeze %dma_start3A_49 : memref<1x512xf32, #tpu.memory_space<vmem>> -> memref<512xf32, #tpu.memory_space<vmem>>
    %dma_start3A_51 = tpu.memref_slice %arg6[%mul3A_12] : memref<16384xf32, #tpu.memory_space<hbm>> -> memref<512xf32, #tpu.memory_space<hbm>>
    tpu.enqueue_dma source(%dma_start3A_51 : memref<512xf32, #tpu.memory_space<hbm>>) target(%dma_start3A_50 : memref<512xf32, #tpu.memory_space<vmem>>) target_semaphore(%arg18 : memref<!tpu.dma_semaphore, #tpu.memory_space<semaphore_mem>>)
    %dma_start3A_52 = arith.constant 0 : i32
    %dma_start3A_53 = arith.constant 0 : i32
    %dma_start3A_54 = tpu.memref_slice %arg15[%dma_start3A_52, %dma_start3A_53] : memref<2x512xf32, #tpu.memory_space<vmem>> -> memref<1x512xf32, #tpu.memory_space<vmem>>
    %dma_start3A_55 = tpu.memref_squeeze %dma_start3A_54 : memref<1x512xf32, #tpu.memory_space<vmem>> -> memref<512xf32, #tpu.memory_space<vmem>>
    %dma_start3A_56 = tpu.memref_slice %arg7[%mul3A_14] : memref<16384xf32, #tpu.memory_space<hbm>> -> memref<512xf32, #tpu.memory_space<hbm>>
    %dma_start3A_57 = arith.constant 0 : i32
    %dma_start3A_58 = tpu.memref_slice %arg15[%dma_start3A_52, %dma_start3A_57] : memref<2x512xf32, #tpu.memory_space<vmem>> -> memref<1x512xf32, #tpu.memory_space<vmem>>
    %dma_start3A_59 = tpu.memref_squeeze %dma_start3A_58 : memref<1x512xf32, #tpu.memory_space<vmem>> -> memref<512xf32, #tpu.memory_space<vmem>>
    %dma_start3A_60 = tpu.memref_slice %arg7[%mul3A_14] : memref<16384xf32, #tpu.memory_space<hbm>> -> memref<512xf32, #tpu.memory_space<hbm>>
    tpu.enqueue_dma source(%dma_start3A_60 : memref<512xf32, #tpu.memory_space<hbm>>) target(%dma_start3A_59 : memref<512xf32, #tpu.memory_space<vmem>>) target_semaphore(%arg18 : memref<!tpu.dma_semaphore, #tpu.memory_space<semaphore_mem>>)
    %dma_start3A_61 = arith.constant 0 : i32
    %dma_start3A_62 = arith.constant 0 : i32
    %dma_start3A_63 = tpu.memref_slice %arg16[%dma_start3A_61, %dma_start3A_62] : memref<2x512xf32, #tpu.memory_space<vmem>> -> memref<1x512xf32, #tpu.memory_space<vmem>>
    %dma_start3A_64 = tpu.memref_squeeze %dma_start3A_63 : memref<1x512xf32, #tpu.memory_space<vmem>> -> memref<512xf32, #tpu.memory_space<vmem>>
    %dma_start3A_65 = tpu.memref_slice %arg8[%mul3A_16] : memref<16384xf32, #tpu.memory_space<hbm>> -> memref<512xf32, #tpu.memory_space<hbm>>
    %dma_start3A_66 = arith.constant 0 : i32
    %dma_start3A_67 = tpu.memref_slice %arg16[%dma_start3A_61, %dma_start3A_66] : memref<2x512xf32, #tpu.memory_space<vmem>> -> memref<1x512xf32, #tpu.memory_space<vmem>>
    %dma_start3A_68 = tpu.memref_squeeze %dma_start3A_67 : memref<1x512xf32, #tpu.memory_space<vmem>> -> memref<512xf32, #tpu.memory_space<vmem>>
    %dma_start3A_69 = tpu.memref_slice %arg8[%mul3A_16] : memref<16384xf32, #tpu.memory_space<hbm>> -> memref<512xf32, #tpu.memory_space<hbm>>
    tpu.enqueue_dma source(%dma_start3A_69 : memref<512xf32, #tpu.memory_space<hbm>>) target(%dma_start3A_68 : memref<512xf32, #tpu.memory_space<vmem>>) target_semaphore(%arg18 : memref<!tpu.dma_semaphore, #tpu.memory_space<semaphore_mem>>)
    %add3A_70 = arith.constant 0 : i32
    %add3A_71 = arith.addi %mul3A_2, %add3A_70 : i32
    %mul3A_72 = arith.constant 1024 : i32
    %mul3A_73 = arith.muli %add3A_71, %mul3A_72 : i32
    %dma_start3A_74 = arith.constant 0 : i32
    %dma_start3A_75 = tpu.memref_slice %arg10[%dma_start3A_74] : memref<65536xf32, #tpu.memory_space<vmem>> -> memref<32768xf32, #tpu.memory_space<vmem>>
    %dma_start3A_76 = tpu.memref_slice %arg2[%mul3A_73] : memref<4194304xf32, #tpu.memory_space<hbm>> -> memref<32768xf32, #tpu.memory_space<hbm>>
    %dma_start3A_77 = arith.constant 0 : i32
    %dma_start3A_78 = tpu.memref_slice %arg10[%dma_start3A_77] : memref<65536xf32, #tpu.memory_space<vmem>> -> memref<32768xf32, #tpu.memory_space<vmem>>
    %dma_start3A_79 = tpu.memref_slice %arg2[%mul3A_73] : memref<4194304xf32, #tpu.memory_space<hbm>> -> memref<32768xf32, #tpu.memory_space<hbm>>
    tpu.enqueue_dma source(%dma_start3A_79 : memref<32768xf32, #tpu.memory_space<hbm>>) target(%dma_start3A_78 : memref<32768xf32, #tpu.memory_space<vmem>>) target_semaphore(%arg20 : memref<!tpu.dma_semaphore, #tpu.memory_space<semaphore_mem>>)
    %scan3A = arith.constant 0 : i32
    %scan3A_80 = arith.constant 0 : i32
    %scan3A_81 = arith.constant 64 : i32
    %scan3A_82 = arith.addi %scan3A_80, %scan3A_81 : i32
    %scan3A_83 = arith.constant 1 : i32
    scf.for %scan3A_149 = %scan3A_80 to %scan3A_82 step %scan3A_83  : i32 {
      %rem3A_150 = arith.constant 2 : i32
      %rem3A_151 = arith.remsi %scan3A_149, %rem3A_150 : i32
      %rem3A_152 = arith.constant 3 : i32
      %rem3A_153 = arith.remsi %scan3A_149, %rem3A_152 : i32
      %rem3A_154 = arith.constant 32 : i32
      %rem3A_155 = arith.remsi %scan3A_149, %rem3A_154 : i32
      %div3A_156 = arith.constant 32 : i32
      %div3A_157 = arith.divsi %scan3A_149, %div3A_156 : i32
      %rem3A_158 = arith.constant 2 : i32
      %rem3A_159 = arith.remsi %div3A_157, %rem3A_158 : i32
      %eq3A = arith.constant 0 : i32
      %eq3A_160 = arith.cmpi eq, %rem3A_155, %eq3A : i32
      %convert_element_type3A = arith.extui %eq3A_160 : i1 to i32
      %cond3A = arith.constant 0 : i32
      %cond3A_161 = arith.cmpi ne, %convert_element_type3A, %cond3A : i32
      scf.if %cond3A_161 {
        %mul3A_268 = arith.constant 32 : i32
        %mul3A_269 = arith.muli %div3A_157, %mul3A_268 : i32
        %add3A_270 = arith.addi %mul3A_2, %mul3A_269 : i32
        %mul3A_271 = arith.constant 1024 : i32
        %mul3A_272 = arith.muli %add3A_270, %mul3A_271 : i32
        %mul3A_273 = arith.constant 32 : i32
        %mul3A_274 = arith.muli %rem3A_159, %mul3A_273 : i32
        %mul3A_275 = arith.constant 1024 : i32
        %mul3A_276 = arith.muli %mul3A_274, %mul3A_275 : i32
        %dma_wait3A_277 = tpu.memref_slice %arg10[%mul3A_276] : memref<65536xf32, #tpu.memory_space<vmem>> -> memref<32768xf32, #tpu.memory_space<vmem>>
        %dma_wait3A_278 = tpu.memref_slice %arg2[%mul3A_272] : memref<4194304xf32, #tpu.memory_space<hbm>> -> memref<32768xf32, #tpu.memory_space<hbm>>
        %dma_wait3A_279 = tpu.memref_slice %arg10[%mul3A_276] : memref<65536xf32, #tpu.memory_space<vmem>> -> memref<32768xf32, #tpu.memory_space<vmem>>
        %dma_wait3A_280 = tpu.memref_slice %arg2[%mul3A_272] : memref<4194304xf32, #tpu.memory_space<hbm>> -> memref<32768xf32, #tpu.memory_space<hbm>>
        tpu.wait_dma2 semaphore(%arg20 : memref<!tpu.dma_semaphore, #tpu.memory_space<semaphore_mem>>) src(%dma_wait3A_280 : memref<32768xf32, #tpu.memory_space<hbm>>) dst(%dma_wait3A_279 : memref<32768xf32, #tpu.memory_space<vmem>>)
      } else {
      }
      %eq3A_162 = arith.constant 31 : i32
      %eq3A_163 = arith.cmpi eq, %rem3A_155, %eq3A_162 : i32
      %add3A_164 = arith.constant 1 : i32
      %add3A_165 = arith.addi %div3A_157, %add3A_164 : i32
      %lt3A = arith.constant 2 : i32
      %lt3A_166 = arith.cmpi slt, %add3A_165, %lt3A : i32
      %and3A = arith.andi %eq3A_163, %lt3A_166 : i1
      %convert_element_type3A_167 = arith.extui %and3A : i1 to i32
      %cond3A_168 = arith.constant 0 : i32
      %cond3A_169 = arith.cmpi ne, %convert_element_type3A_167, %cond3A_168 : i32
      scf.if %cond3A_169 {
        %add3A_268 = arith.constant 1 : i32
        %add3A_269 = arith.addi %div3A_157, %add3A_268 : i32
        %sub3A = arith.constant 1 : i32
        %sub3A_270 = arith.subi %sub3A, %rem3A_159 : i32
        %mul3A_271 = arith.constant 32 : i32
        %mul3A_272 = arith.muli %add3A_269, %mul3A_271 : i32
        %add3A_273 = arith.addi %mul3A_2, %mul3A_272 : i32
        %mul3A_274 = arith.constant 1024 : i32
        %mul3A_275 = arith.muli %add3A_273, %mul3A_274 : i32
        %mul3A_276 = arith.constant 32 : i32
        %mul3A_277 = arith.muli %sub3A_270, %mul3A_276 : i32
        %mul3A_278 = arith.constant 1024 : i32
        %mul3A_279 = arith.muli %mul3A_277, %mul3A_278 : i32
        %dma_start3A_280 = tpu.memref_slice %arg10[%mul3A_279] : memref<65536xf32, #tpu.memory_space<vmem>> -> memref<32768xf32, #tpu.memory_space<vmem>>
        %dma_start3A_281 = tpu.memref_slice %arg2[%mul3A_275] : memref<4194304xf32, #tpu.memory_space<hbm>> -> memref<32768xf32, #tpu.memory_space<hbm>>
        %dma_start3A_282 = tpu.memref_slice %arg10[%mul3A_279] : memref<65536xf32, #tpu.memory_space<vmem>> -> memref<32768xf32, #tpu.memory_space<vmem>>
        %dma_start3A_283 = tpu.memref_slice %arg2[%mul3A_275] : memref<4194304xf32, #tpu.memory_space<hbm>> -> memref<32768xf32, #tpu.memory_space<hbm>>
        tpu.enqueue_dma source(%dma_start3A_283 : memref<32768xf32, #tpu.memory_space<hbm>>) target(%dma_start3A_282 : memref<32768xf32, #tpu.memory_space<vmem>>) target_semaphore(%arg20 : memref<!tpu.dma_semaphore, #tpu.memory_space<semaphore_mem>>)
      } else {
      }
      %rem3A_170 = arith.constant 32 : i32
      %rem3A_171 = arith.remsi %scan3A_149, %rem3A_170 : i32
      %mul3A_172 = arith.constant 512 : i32
      %mul3A_173 = arith.muli %rem3A_171, %mul3A_172 : i32
      %mul3A_174 = arith.constant 512 : i32
      %mul3A_175 = arith.muli %rem3A_171, %mul3A_174 : i32
      %mul3A_176 = arith.constant 512 : i32
      %mul3A_177 = arith.muli %rem3A_171, %mul3A_176 : i32
      %mul3A_178 = arith.constant 512 : i32
      %mul3A_179 = arith.muli %rem3A_171, %mul3A_178 : i32
      %mul3A_180 = arith.constant 512 : i32
      %mul3A_181 = arith.muli %rem3A_171, %mul3A_180 : i32
      %mul3A_182 = arith.constant 512 : i32
      %mul3A_183 = arith.muli %rem3A_171, %mul3A_182 : i32
      %dma_wait3A_184 = arith.constant 0 : i32
      %dma_wait3A_185 = tpu.memref_slice %arg11[%rem3A_151, %dma_wait3A_184] : memref<2x512xi32, #tpu.memory_space<vmem>> -> memref<1x512xi32, #tpu.memory_space<vmem>>
      %dma_wait3A_186 = tpu.memref_squeeze %dma_wait3A_185 : memref<1x512xi32, #tpu.memory_space<vmem>> -> memref<512xi32, #tpu.memory_space<vmem>>
      %dma_wait3A_187 = tpu.memref_slice %arg3[%mul3A_173] : memref<16384xi32, #tpu.memory_space<hbm>> -> memref<512xi32, #tpu.memory_space<hbm>>
      %dma_wait3A_188 = arith.constant 0 : i32
      %dma_wait3A_189 = tpu.memref_slice %arg11[%rem3A_151, %dma_wait3A_188] : memref<2x512xi32, #tpu.memory_space<vmem>> -> memref<1x512xi32, #tpu.memory_space<vmem>>
      %dma_wait3A_190 = tpu.memref_squeeze %dma_wait3A_189 : memref<1x512xi32, #tpu.memory_space<vmem>> -> memref<512xi32, #tpu.memory_space<vmem>>
      %dma_wait3A_191 = tpu.memref_slice %arg3[%mul3A_173] : memref<16384xi32, #tpu.memory_space<hbm>> -> memref<512xi32, #tpu.memory_space<hbm>>
      tpu.wait_dma2 semaphore(%arg18 : memref<!tpu.dma_semaphore, #tpu.memory_space<semaphore_mem>>) src(%dma_wait3A_191 : memref<512xi32, #tpu.memory_space<hbm>>) dst(%dma_wait3A_190 : memref<512xi32, #tpu.memory_space<vmem>>)
      %dma_wait3A_192 = arith.constant 0 : i32
      %dma_wait3A_193 = tpu.memref_slice %arg12[%rem3A_151, %dma_wait3A_192] : memref<2x512xi32, #tpu.memory_space<vmem>> -> memref<1x512xi32, #tpu.memory_space<vmem>>
      %dma_wait3A_194 = tpu.memref_squeeze %dma_wait3A_193 : memref<1x512xi32, #tpu.memory_space<vmem>> -> memref<512xi32, #tpu.memory_space<vmem>>
      %dma_wait3A_195 = tpu.memref_slice %arg4[%mul3A_175] : memref<16384xi32, #tpu.memory_space<hbm>> -> memref<512xi32, #tpu.memory_space<hbm>>
      %dma_wait3A_196 = arith.constant 0 : i32
      %dma_wait3A_197 = tpu.memref_slice %arg12[%rem3A_151, %dma_wait3A_196] : memref<2x512xi32, #tpu.memory_space<vmem>> -> memref<1x512xi32, #tpu.memory_space<vmem>>
      %dma_wait3A_198 = tpu.memref_squeeze %dma_wait3A_197 : memref<1x512xi32, #tpu.memory_space<vmem>> -> memref<512xi32, #tpu.memory_space<vmem>>
      %dma_wait3A_199 = tpu.memref_slice %arg4[%mul3A_175] : memref<16384xi32, #tpu.memory_space<hbm>> -> memref<512xi32, #tpu.memory_space<hbm>>
      tpu.wait_dma2 semaphore(%arg18 : memref<!tpu.dma_semaphore, #tpu.memory_space<semaphore_mem>>) src(%dma_wait3A_199 : memref<512xi32, #tpu.memory_space<hbm>>) dst(%dma_wait3A_198 : memref<512xi32, #tpu.memory_space<vmem>>)
      %dma_wait3A_200 = arith.constant 0 : i32
      %dma_wait3A_201 = tpu.memref_slice %arg13[%rem3A_151, %dma_wait3A_200] : memref<2x512xf32, #tpu.memory_space<vmem>> -> memref<1x512xf32, #tpu.memory_space<vmem>>
      %dma_wait3A_202 = tpu.memref_squeeze %dma_wait3A_201 : memref<1x512xf32, #tpu.memory_space<vmem>> -> memref<512xf32, #tpu.memory_space<vmem>>
      %dma_wait3A_203 = tpu.memref_slice %arg5[%mul3A_177] : memref<16384xf32, #tpu.memory_space<hbm>> -> memref<512xf32, #tpu.memory_space<hbm>>
      %dma_wait3A_204 = arith.constant 0 : i32
      %dma_wait3A_205 = tpu.memref_slice %arg13[%rem3A_151, %dma_wait3A_204] : memref<2x512xf32, #tpu.memory_space<vmem>> -> memref<1x512xf32, #tpu.memory_space<vmem>>
      %dma_wait3A_206 = tpu.memref_squeeze %dma_wait3A_205 : memref<1x512xf32, #tpu.memory_space<vmem>> -> memref<512xf32, #tpu.memory_space<vmem>>
      %dma_wait3A_207 = tpu.memref_slice %arg5[%mul3A_177] : memref<16384xf32, #tpu.memory_space<hbm>> -> memref<512xf32, #tpu.memory_space<hbm>>
      tpu.wait_dma2 semaphore(%arg18 : memref<!tpu.dma_semaphore, #tpu.memory_space<semaphore_mem>>) src(%dma_wait3A_207 : memref<512xf32, #tpu.memory_space<hbm>>) dst(%dma_wait3A_206 : memref<512xf32, #tpu.memory_space<vmem>>)
      %dma_wait3A_208 = arith.constant 0 : i32
      %dma_wait3A_209 = tpu.memref_slice %arg14[%rem3A_151, %dma_wait3A_208] : memref<2x512xf32, #tpu.memory_space<vmem>> -> memref<1x512xf32, #tpu.memory_space<vmem>>
      %dma_wait3A_210 = tpu.memref_squeeze %dma_wait3A_209 : memref<1x512xf32, #tpu.memory_space<vmem>> -> memref<512xf32, #tpu.memory_space<vmem>>
      %dma_wait3A_211 = tpu.memref_slice %arg6[%mul3A_179] : memref<16384xf32, #tpu.memory_space<hbm>> -> memref<512xf32, #tpu.memory_space<hbm>>
      %dma_wait3A_212 = arith.constant 0 : i32
      %dma_wait3A_213 = tpu.memref_slice %arg14[%rem3A_151, %dma_wait3A_212] : memref<2x512xf32, #tpu.memory_space<vmem>> -> memref<1x512xf32, #tpu.memory_space<vmem>>
      %dma_wait3A_214 = tpu.memref_squeeze %dma_wait3A_213 : memref<1x512xf32, #tpu.memory_space<vmem>> -> memref<512xf32, #tpu.memory_space<vmem>>
      %dma_wait3A_215 = tpu.memref_slice %arg6[%mul3A_179] : memref<16384xf32, #tpu.memory_space<hbm>> -> memref<512xf32, #tpu.memory_space<hbm>>
      tpu.wait_dma2 semaphore(%arg18 : memref<!tpu.dma_semaphore, #tpu.memory_space<semaphore_mem>>) src(%dma_wait3A_215 : memref<512xf32, #tpu.memory_space<hbm>>) dst(%dma_wait3A_214 : memref<512xf32, #tpu.memory_space<vmem>>)
      %dma_wait3A_216 = arith.constant 0 : i32
      %dma_wait3A_217 = tpu.memref_slice %arg15[%rem3A_151, %dma_wait3A_216] : memref<2x512xf32, #tpu.memory_space<vmem>> -> memref<1x512xf32, #tpu.memory_space<vmem>>
      %dma_wait3A_218 = tpu.memref_squeeze %dma_wait3A_217 : memref<1x512xf32, #tpu.memory_space<vmem>> -> memref<512xf32, #tpu.memory_space<vmem>>
      %dma_wait3A_219 = tpu.memref_slice %arg7[%mul3A_181] : memref<16384xf32, #tpu.memory_space<hbm>> -> memref<512xf32, #tpu.memory_space<hbm>>
      %dma_wait3A_220 = arith.constant 0 : i32
      %dma_wait3A_221 = tpu.memref_slice %arg15[%rem3A_151, %dma_wait3A_220] : memref<2x512xf32, #tpu.memory_space<vmem>> -> memref<1x512xf32, #tpu.memory_space<vmem>>
      %dma_wait3A_222 = tpu.memref_squeeze %dma_wait3A_221 : memref<1x512xf32, #tpu.memory_space<vmem>> -> memref<512xf32, #tpu.memory_space<vmem>>
      %dma_wait3A_223 = tpu.memref_slice %arg7[%mul3A_181] : memref<16384xf32, #tpu.memory_space<hbm>> -> memref<512xf32, #tpu.memory_space<hbm>>
      tpu.wait_dma2 semaphore(%arg18 : memref<!tpu.dma_semaphore, #tpu.memory_space<semaphore_mem>>) src(%dma_wait3A_223 : memref<512xf32, #tpu.memory_space<hbm>>) dst(%dma_wait3A_222 : memref<512xf32, #tpu.memory_space<vmem>>)
      %dma_wait3A_224 = arith.constant 0 : i32
      %dma_wait3A_225 = tpu.memref_slice %arg16[%rem3A_151, %dma_wait3A_224] : memref<2x512xf32, #tpu.memory_space<vmem>> -> memref<1x512xf32, #tpu.memory_space<vmem>>
      %dma_wait3A_226 = tpu.memref_squeeze %dma_wait3A_225 : memref<1x512xf32, #tpu.memory_space<vmem>> -> memref<512xf32, #tpu.memory_space<vmem>>
      %dma_wait3A_227 = tpu.memref_slice %arg8[%mul3A_183] : memref<16384xf32, #tpu.memory_space<hbm>> -> memref<512xf32, #tpu.memory_space<hbm>>
      %dma_wait3A_228 = arith.constant 0 : i32
      %dma_wait3A_229 = tpu.memref_slice %arg16[%rem3A_151, %dma_wait3A_228] : memref<2x512xf32, #tpu.memory_space<vmem>> -> memref<1x512xf32, #tpu.memory_space<vmem>>
      %dma_wait3A_230 = tpu.memref_squeeze %dma_wait3A_229 : memref<1x512xf32, #tpu.memory_space<vmem>> -> memref<512xf32, #tpu.memory_space<vmem>>
      %dma_wait3A_231 = tpu.memref_slice %arg8[%mul3A_183] : memref<16384xf32, #tpu.memory_space<hbm>> -> memref<512xf32, #tpu.memory_space<hbm>>
      tpu.wait_dma2 semaphore(%arg18 : memref<!tpu.dma_semaphore, #tpu.memory_space<semaphore_mem>>) src(%dma_wait3A_231 : memref<512xf32, #tpu.memory_space<hbm>>) dst(%dma_wait3A_230 : memref<512xf32, #tpu.memory_space<vmem>>)
      %add3A_232 = arith.constant 1 : i32
      %add3A_233 = arith.addi %scan3A_149, %add3A_232 : i32
      %lt3A_234 = arith.constant 64 : i32
      %lt3A_235 = arith.cmpi slt, %add3A_233, %lt3A_234 : i32
      %convert_element_type3A_236 = arith.extui %lt3A_235 : i1 to i32
      %cond3A_237 = arith.constant 0 : i32
      %cond3A_238 = arith.cmpi ne, %convert_element_type3A_236, %cond3A_237 : i32
      scf.if %cond3A_238 {
        %add3A_268 = arith.constant 1 : i32
        %add3A_269 = arith.addi %scan3A_149, %add3A_268 : i32
        %sub3A = arith.constant 1 : i32
        %sub3A_270 = arith.subi %sub3A, %rem3A_151 : i32
        %rem3A_271 = arith.constant 32 : i32
        %rem3A_272 = arith.remsi %add3A_269, %rem3A_271 : i32
        %mul3A_273 = arith.constant 512 : i32
        %mul3A_274 = arith.muli %rem3A_272, %mul3A_273 : i32
        %mul3A_275 = arith.constant 512 : i32
        %mul3A_276 = arith.muli %rem3A_272, %mul3A_275 : i32
        %mul3A_277 = arith.constant 512 : i32
        %mul3A_278 = arith.muli %rem3A_272, %mul3A_277 : i32
        %mul3A_279 = arith.constant 512 : i32
        %mul3A_280 = arith.muli %rem3A_272, %mul3A_279 : i32
        %mul3A_281 = arith.constant 512 : i32
        %mul3A_282 = arith.muli %rem3A_272, %mul3A_281 : i32
        %mul3A_283 = arith.constant 512 : i32
        %mul3A_284 = arith.muli %rem3A_272, %mul3A_283 : i32
        %dma_start3A_285 = arith.constant 0 : i32
        %dma_start3A_286 = tpu.memref_slice %arg11[%sub3A_270, %dma_start3A_285] : memref<2x512xi32, #tpu.memory_space<vmem>> -> memref<1x512xi32, #tpu.memory_space<vmem>>
        %dma_start3A_287 = tpu.memref_squeeze %dma_start3A_286 : memref<1x512xi32, #tpu.memory_space<vmem>> -> memref<512xi32, #tpu.memory_space<vmem>>
        %dma_start3A_288 = tpu.memref_slice %arg3[%mul3A_274] : memref<16384xi32, #tpu.memory_space<hbm>> -> memref<512xi32, #tpu.memory_space<hbm>>
        %dma_start3A_289 = arith.constant 0 : i32
        %dma_start3A_290 = tpu.memref_slice %arg11[%sub3A_270, %dma_start3A_289] : memref<2x512xi32, #tpu.memory_space<vmem>> -> memref<1x512xi32, #tpu.memory_space<vmem>>
        %dma_start3A_291 = tpu.memref_squeeze %dma_start3A_290 : memref<1x512xi32, #tpu.memory_space<vmem>> -> memref<512xi32, #tpu.memory_space<vmem>>
        %dma_start3A_292 = tpu.memref_slice %arg3[%mul3A_274] : memref<16384xi32, #tpu.memory_space<hbm>> -> memref<512xi32, #tpu.memory_space<hbm>>
        tpu.enqueue_dma source(%dma_start3A_292 : memref<512xi32, #tpu.memory_space<hbm>>) target(%dma_start3A_291 : memref<512xi32, #tpu.memory_space<vmem>>) target_semaphore(%arg18 : memref<!tpu.dma_semaphore, #tpu.memory_space<semaphore_mem>>)
        %dma_start3A_293 = arith.constant 0 : i32
        %dma_start3A_294 = tpu.memref_slice %arg12[%sub3A_270, %dma_start3A_293] : memref<2x512xi32, #tpu.memory_space<vmem>> -> memref<1x512xi32, #tpu.memory_space<vmem>>
        %dma_start3A_295 = tpu.memref_squeeze %dma_start3A_294 : memref<1x512xi32, #tpu.memory_space<vmem>> -> memref<512xi32, #tpu.memory_space<vmem>>
        %dma_start3A_296 = tpu.memref_slice %arg4[%mul3A_276] : memref<16384xi32, #tpu.memory_space<hbm>> -> memref<512xi32, #tpu.memory_space<hbm>>
        %dma_start3A_297 = arith.constant 0 : i32
        %dma_start3A_298 = tpu.memref_slice %arg12[%sub3A_270, %dma_start3A_297] : memref<2x512xi32, #tpu.memory_space<vmem>> -> memref<1x512xi32, #tpu.memory_space<vmem>>
        %dma_start3A_299 = tpu.memref_squeeze %dma_start3A_298 : memref<1x512xi32, #tpu.memory_space<vmem>> -> memref<512xi32, #tpu.memory_space<vmem>>
        %dma_start3A_300 = tpu.memref_slice %arg4[%mul3A_276] : memref<16384xi32, #tpu.memory_space<hbm>> -> memref<512xi32, #tpu.memory_space<hbm>>
        tpu.enqueue_dma source(%dma_start3A_300 : memref<512xi32, #tpu.memory_space<hbm>>) target(%dma_start3A_299 : memref<512xi32, #tpu.memory_space<vmem>>) target_semaphore(%arg18 : memref<!tpu.dma_semaphore, #tpu.memory_space<semaphore_mem>>)
        %dma_start3A_301 = arith.constant 0 : i32
        %dma_start3A_302 = tpu.memref_slice %arg13[%sub3A_270, %dma_start3A_301] : memref<2x512xf32, #tpu.memory_space<vmem>> -> memref<1x512xf32, #tpu.memory_space<vmem>>
        %dma_start3A_303 = tpu.memref_squeeze %dma_start3A_302 : memref<1x512xf32, #tpu.memory_space<vmem>> -> memref<512xf32, #tpu.memory_space<vmem>>
        %dma_start3A_304 = tpu.memref_slice %arg5[%mul3A_278] : memref<16384xf32, #tpu.memory_space<hbm>> -> memref<512xf32, #tpu.memory_space<hbm>>
        %dma_start3A_305 = arith.constant 0 : i32
        %dma_start3A_306 = tpu.memref_slice %arg13[%sub3A_270, %dma_start3A_305] : memref<2x512xf32, #tpu.memory_space<vmem>> -> memref<1x512xf32, #tpu.memory_space<vmem>>
        %dma_start3A_307 = tpu.memref_squeeze %dma_start3A_306 : memref<1x512xf32, #tpu.memory_space<vmem>> -> memref<512xf32, #tpu.memory_space<vmem>>
        %dma_start3A_308 = tpu.memref_slice %arg5[%mul3A_278] : memref<16384xf32, #tpu.memory_space<hbm>> -> memref<512xf32, #tpu.memory_space<hbm>>
        tpu.enqueue_dma source(%dma_start3A_308 : memref<512xf32, #tpu.memory_space<hbm>>) target(%dma_start3A_307 : memref<512xf32, #tpu.memory_space<vmem>>) target_semaphore(%arg18 : memref<!tpu.dma_semaphore, #tpu.memory_space<semaphore_mem>>)
        %dma_start3A_309 = arith.constant 0 : i32
        %dma_start3A_310 = tpu.memref_slice %arg14[%sub3A_270, %dma_start3A_309] : memref<2x512xf32, #tpu.memory_space<vmem>> -> memref<1x512xf32, #tpu.memory_space<vmem>>
        %dma_start3A_311 = tpu.memref_squeeze %dma_start3A_310 : memref<1x512xf32, #tpu.memory_space<vmem>> -> memref<512xf32, #tpu.memory_space<vmem>>
        %dma_start3A_312 = tpu.memref_slice %arg6[%mul3A_280] : memref<16384xf32, #tpu.memory_space<hbm>> -> memref<512xf32, #tpu.memory_space<hbm>>
        %dma_start3A_313 = arith.constant 0 : i32
        %dma_start3A_314 = tpu.memref_slice %arg14[%sub3A_270, %dma_start3A_313] : memref<2x512xf32, #tpu.memory_space<vmem>> -> memref<1x512xf32, #tpu.memory_space<vmem>>
        %dma_start3A_315 = tpu.memref_squeeze %dma_start3A_314 : memref<1x512xf32, #tpu.memory_space<vmem>> -> memref<512xf32, #tpu.memory_space<vmem>>
        %dma_start3A_316 = tpu.memref_slice %arg6[%mul3A_280] : memref<16384xf32, #tpu.memory_space<hbm>> -> memref<512xf32, #tpu.memory_space<hbm>>
        tpu.enqueue_dma source(%dma_start3A_316 : memref<512xf32, #tpu.memory_space<hbm>>) target(%dma_start3A_315 : memref<512xf32, #tpu.memory_space<vmem>>) target_semaphore(%arg18 : memref<!tpu.dma_semaphore, #tpu.memory_space<semaphore_mem>>)
        %dma_start3A_317 = arith.constant 0 : i32
        %dma_start3A_318 = tpu.memref_slice %arg15[%sub3A_270, %dma_start3A_317] : memref<2x512xf32, #tpu.memory_space<vmem>> -> memref<1x512xf32, #tpu.memory_space<vmem>>
        %dma_start3A_319 = tpu.memref_squeeze %dma_start3A_318 : memref<1x512xf32, #tpu.memory_space<vmem>> -> memref<512xf32, #tpu.memory_space<vmem>>
        %dma_start3A_320 = tpu.memref_slice %arg7[%mul3A_282] : memref<16384xf32, #tpu.memory_space<hbm>> -> memref<512xf32, #tpu.memory_space<hbm>>
        %dma_start3A_321 = arith.constant 0 : i32
        %dma_start3A_322 = tpu.memref_slice %arg15[%sub3A_270, %dma_start3A_321] : memref<2x512xf32, #tpu.memory_space<vmem>> -> memref<1x512xf32, #tpu.memory_space<vmem>>
        %dma_start3A_323 = tpu.memref_squeeze %dma_start3A_322 : memref<1x512xf32, #tpu.memory_space<vmem>> -> memref<512xf32, #tpu.memory_space<vmem>>
        %dma_start3A_324 = tpu.memref_slice %arg7[%mul3A_282] : memref<16384xf32, #tpu.memory_space<hbm>> -> memref<512xf32, #tpu.memory_space<hbm>>
        tpu.enqueue_dma source(%dma_start3A_324 : memref<512xf32, #tpu.memory_space<hbm>>) target(%dma_start3A_323 : memref<512xf32, #tpu.memory_space<vmem>>) target_semaphore(%arg18 : memref<!tpu.dma_semaphore, #tpu.memory_space<semaphore_mem>>)
        %dma_start3A_325 = arith.constant 0 : i32
        %dma_start3A_326 = tpu.memref_slice %arg16[%sub3A_270, %dma_start3A_325] : memref<2x512xf32, #tpu.memory_space<vmem>> -> memref<1x512xf32, #tpu.memory_space<vmem>>
        %dma_start3A_327 = tpu.memref_squeeze %dma_start3A_326 : memref<1x512xf32, #tpu.memory_space<vmem>> -> memref<512xf32, #tpu.memory_space<vmem>>
        %dma_start3A_328 = tpu.memref_slice %arg8[%mul3A_284] : memref<16384xf32, #tpu.memory_space<hbm>> -> memref<512xf32, #tpu.memory_space<hbm>>
        %dma_start3A_329 = arith.constant 0 : i32
        %dma_start3A_330 = tpu.memref_slice %arg16[%sub3A_270, %dma_start3A_329] : memref<2x512xf32, #tpu.memory_space<vmem>> -> memref<1x512xf32, #tpu.memory_space<vmem>>
        %dma_start3A_331 = tpu.memref_squeeze %dma_start3A_330 : memref<1x512xf32, #tpu.memory_space<vmem>> -> memref<512xf32, #tpu.memory_space<vmem>>
        %dma_start3A_332 = tpu.memref_slice %arg8[%mul3A_284] : memref<16384xf32, #tpu.memory_space<hbm>> -> memref<512xf32, #tpu.memory_space<hbm>>
        tpu.enqueue_dma source(%dma_start3A_332 : memref<512xf32, #tpu.memory_space<hbm>>) target(%dma_start3A_331 : memref<512xf32, #tpu.memory_space<vmem>>) target_semaphore(%arg18 : memref<!tpu.dma_semaphore, #tpu.memory_space<semaphore_mem>>)
      } else {
      }
      %ge3A = arith.constant 3 : i32
      %ge3A_239 = arith.cmpi sge, %scan3A_149, %ge3A : i32
      %convert_element_type3A_240 = arith.extui %ge3A_239 : i1 to i32
      %cond3A_241 = arith.constant 0 : i32
      %cond3A_242 = arith.cmpi ne, %convert_element_type3A_240, %cond3A_241 : i32
      scf.if %cond3A_242 {
        %rem3A_268 = arith.constant 32 : i32
        %rem3A_269 = arith.remsi %scan3A_149, %rem3A_268 : i32
        %div3A_270 = arith.constant 32 : i32
        %div3A_271 = arith.divsi %scan3A_149, %div3A_270 : i32
        %mul3A_272 = arith.constant 32 : i32
        %mul3A_273 = arith.muli %div3A_271, %mul3A_272 : i32
        %add3A_274 = arith.addi %mul3A_2, %mul3A_273 : i32
        %mul3A_275 = arith.constant 512 : i32
        %mul3A_276 = arith.muli %rem3A_269, %mul3A_275 : i32
        %dma_wait3A_277 = arith.constant 0 : i32
        %dma_wait3A_278 = arith.constant 0 : i32
        %dma_wait3A_279 = tpu.memref_slice %arg17[%rem3A_153, %dma_wait3A_277, %dma_wait3A_278] : memref<3x32x512xf32, #tpu.memory_space<vmem>> -> memref<1x32x512xf32, #tpu.memory_space<vmem>>
        %dma_wait3A_280 = tpu.memref_squeeze %dma_wait3A_279 : memref<1x32x512xf32, #tpu.memory_space<vmem>> -> memref<32x512xf32, #tpu.memory_space<vmem>>
        %dma_wait3A_281 = tpu.memref_slice %arg9[%add3A_274, %mul3A_276] : memref<4096x16384xf32, #tpu.memory_space<hbm>> -> memref<32x512xf32, #tpu.memory_space<hbm>>
        %dma_wait3A_282 = tpu.memref_slice %arg9[%add3A_274, %mul3A_276] : memref<4096x16384xf32, #tpu.memory_space<hbm>> -> memref<32x512xf32, #tpu.memory_space<hbm>>
        %dma_wait3A_283 = arith.constant 0 : i32
        %dma_wait3A_284 = arith.constant 0 : i32
        %dma_wait3A_285 = tpu.memref_slice %arg17[%rem3A_153, %dma_wait3A_283, %dma_wait3A_284] : memref<3x32x512xf32, #tpu.memory_space<vmem>> -> memref<1x32x512xf32, #tpu.memory_space<vmem>>
        %dma_wait3A_286 = tpu.memref_squeeze %dma_wait3A_285 : memref<1x32x512xf32, #tpu.memory_space<vmem>> -> memref<32x512xf32, #tpu.memory_space<vmem>>
        tpu.wait_dma2 semaphore(%arg19 : memref<!tpu.dma_semaphore, #tpu.memory_space<semaphore_mem>>) src(%dma_wait3A_286 : memref<32x512xf32, #tpu.memory_space<vmem>>) dst(%dma_wait3A_282 : memref<32x512xf32, #tpu.memory_space<hbm>>)
      } else {
      }
      %scan3A_243 = arith.constant 0 : i32
      %scan3A_244 = arith.constant 0 : i32
      %scan3A_245 = arith.constant 16 : i32
      %scan3A_246 = arith.addi %scan3A_244, %scan3A_245 : i32
      %scan3A_247 = arith.constant 1 : i32
      scf.for %scan3A_268 = %scan3A_244 to %scan3A_246 step %scan3A_247  : i32 {
        %mul3A_269 = arith.constant 2 : i32
        %mul3A_270 = arith.muli %scan3A_268, %mul3A_269 : i32
        %add3A_271 = arith.constant 0 : i32
        %add3A_272 = arith.addi %mul3A_270, %add3A_271 : i32
        %mul3A_273 = arith.constant 16 : i32
        %mul3A_274 = arith.muli %add3A_272, %mul3A_273 : i32
        %mul3A_275 = arith.constant 2 : i32
        %mul3A_276 = arith.muli %scan3A_268, %mul3A_275 : i32
        %add3A_277 = arith.constant 1 : i32
        %add3A_278 = arith.addi %mul3A_276, %add3A_277 : i32
        %mul3A_279 = arith.constant 16 : i32
        %mul3A_280 = arith.muli %add3A_278, %mul3A_279 : i32
        %get3A = arith.index_cast %rem3A_151 : i32 to index
        %get3A_281 = arith.index_cast %mul3A_274 : i32 to index
        %get3A_282 = tpu.vector_load %arg11[%get3A, %get3A_281] {strides = array<i32>} : memref<2x512xi32, #tpu.memory_space<vmem>>, vector<16xi32>,
        %get3A_283 = arith.index_cast %rem3A_151 : i32 to index
        %get3A_284 = arith.index_cast %mul3A_274 : i32 to index
        %get3A_285 = tpu.vector_load %arg12[%get3A_283, %get3A_284] {strides = array<i32>} : memref<2x512xi32, #tpu.memory_space<vmem>>, vector<16xi32>,
        %get3A_286 = arith.index_cast %rem3A_151 : i32 to index
        %get3A_287 = arith.index_cast %mul3A_274 : i32 to index
        %get3A_288 = tpu.vector_load %arg13[%get3A_286, %get3A_287] {strides = array<i32>} : memref<2x512xf32, #tpu.memory_space<vmem>>, vector<16xf32>,
        %get3A_289 = arith.index_cast %rem3A_151 : i32 to index
        %get3A_290 = arith.index_cast %mul3A_274 : i32 to index
        %get3A_291 = tpu.vector_load %arg14[%get3A_289, %get3A_290] {strides = array<i32>} : memref<2x512xf32, #tpu.memory_space<vmem>>, vector<16xf32>,
        %get3A_292 = arith.index_cast %rem3A_151 : i32 to index
        %get3A_293 = arith.index_cast %mul3A_274 : i32 to index
        %get3A_294 = tpu.vector_load %arg15[%get3A_292, %get3A_293] {strides = array<i32>} : memref<2x512xf32, #tpu.memory_space<vmem>>, vector<16xf32>,
        %get3A_295 = arith.index_cast %rem3A_151 : i32 to index
        %get3A_296 = arith.index_cast %mul3A_274 : i32 to index
        %get3A_297 = tpu.vector_load %arg16[%get3A_295, %get3A_296] {strides = array<i32>} : memref<2x512xf32, #tpu.memory_space<vmem>>, vector<16xf32>,
        %get3A_298 = arith.index_cast %rem3A_151 : i32 to index
        %get3A_299 = arith.index_cast %mul3A_280 : i32 to index
        %get3A_300 = tpu.vector_load %arg11[%get3A_298, %get3A_299] {strides = array<i32>} : memref<2x512xi32, #tpu.memory_space<vmem>>, vector<16xi32>,
        %get3A_301 = arith.index_cast %rem3A_151 : i32 to index
        %get3A_302 = arith.index_cast %mul3A_280 : i32 to index
        %get3A_303 = tpu.vector_load %arg12[%get3A_301, %get3A_302] {strides = array<i32>} : memref<2x512xi32, #tpu.memory_space<vmem>>, vector<16xi32>,
        %get3A_304 = arith.index_cast %rem3A_151 : i32 to index
        %get3A_305 = arith.index_cast %mul3A_280 : i32 to index
        %get3A_306 = tpu.vector_load %arg13[%get3A_304, %get3A_305] {strides = array<i32>} : memref<2x512xf32, #tpu.memory_space<vmem>>, vector<16xf32>,
        %get3A_307 = arith.index_cast %rem3A_151 : i32 to index
        %get3A_308 = arith.index_cast %mul3A_280 : i32 to index
        %get3A_309 = tpu.vector_load %arg14[%get3A_307, %get3A_308] {strides = array<i32>} : memref<2x512xf32, #tpu.memory_space<vmem>>, vector<16xf32>,
        %get3A_310 = arith.index_cast %rem3A_151 : i32 to index
        %get3A_311 = arith.index_cast %mul3A_280 : i32 to index
        %get3A_312 = tpu.vector_load %arg15[%get3A_310, %get3A_311] {strides = array<i32>} : memref<2x512xf32, #tpu.memory_space<vmem>>, vector<16xf32>,
        %get3A_313 = arith.index_cast %rem3A_151 : i32 to index
        %get3A_314 = arith.index_cast %mul3A_280 : i32 to index
        %get3A_315 = tpu.vector_load %arg16[%get3A_313, %get3A_314] {strides = array<i32>} : memref<2x512xf32, #tpu.memory_space<vmem>>, vector<16xf32>,
        %parallel_loop3A = arith.constant 0 : i32
        %parallel_loop3A_316 = arith.constant 32 : i32
        %parallel_loop3A_317 = arith.constant 1 : i32
        scf.for %parallel_loop3A_318 = %parallel_loop3A to %parallel_loop3A_316 step %parallel_loop3A_317  : i32 {
          %parallel_loop3A_319 = arith.constant 32768 : i32
          %parallel_loop3A_320 = arith.muli %rem3A_159, %parallel_loop3A_319 : i32
          %parallel_loop3A_321 = arith.constant 1024 : i32
          %parallel_loop3A_322 = arith.muli %parallel_loop3A_318, %parallel_loop3A_321 : i32
          %parallel_loop3A_323 = arith.addi %parallel_loop3A_320, %parallel_loop3A_322 : i32
          %parallel_loop3A_324 = tpu.memref_slice %arg10[%parallel_loop3A_323] : memref<65536xf32, #tpu.memory_space<vmem>> -> memref<1024xf32, #tpu.memory_space<vmem>>
          %parallel_loop3A_325 = tpu.vector_load_idx %parallel_loop3A_324[%get3A_282] : memref<1024xf32, #tpu.memory_space<vmem>>[vector<16xi32>], vector<16xf32>,
          %parallel_loop3A_326 = tpu.memref_slice %arg10[%parallel_loop3A_323] : memref<65536xf32, #tpu.memory_space<vmem>> -> memref<1024xf32, #tpu.memory_space<vmem>>
          %parallel_loop3A_327 = tpu.vector_load_idx %parallel_loop3A_326[%get3A_285] : memref<1024xf32, #tpu.memory_space<vmem>>[vector<16xi32>], vector<16xf32>,
          %parallel_loop3A_328 = arith.addf %parallel_loop3A_325, %get3A_288 : vector<16xf32>
          %parallel_loop3A_329 = arith.mulf %get3A_291, %parallel_loop3A_327 : vector<16xf32>
          %parallel_loop3A_330 = arith.addf %parallel_loop3A_329, %get3A_294 : vector<16xf32>
          %parallel_loop3A_331 = arith.mulf %parallel_loop3A_328, %parallel_loop3A_330 : vector<16xf32>
          %parallel_loop3A_332 = arith.addf %parallel_loop3A_331, %get3A_297 : vector<16xf32>
          %parallel_loop3A_333 = arith.index_cast %rem3A_153 : i32 to index
          %parallel_loop3A_334 = arith.index_cast %parallel_loop3A_318 : i32 to index
          %parallel_loop3A_335 = arith.index_cast %mul3A_274 : i32 to index
          %parallel_loop3A_336 = tpu.vector_load %arg17[%parallel_loop3A_333, %parallel_loop3A_334, %parallel_loop3A_335] {strides = array<i32>} : memref<3x32x512xf32, #tpu.memory_space<vmem>>, vector<16xf32>,
          tpu.vector_store %arg17[%parallel_loop3A_333, %parallel_loop3A_334, %parallel_loop3A_335], %parallel_loop3A_332 {strides = array<i32>} : memref<3x32x512xf32, #tpu.memory_space<vmem>>, vector<16xf32>,
          %parallel_loop3A_337 = tpu.memref_slice %arg10[%parallel_loop3A_323] : memref<65536xf32, #tpu.memory_space<vmem>> -> memref<1024xf32, #tpu.memory_space<vmem>>
          %parallel_loop3A_338 = tpu.vector_load_idx %parallel_loop3A_337[%get3A_300] : memref<1024xf32, #tpu.memory_space<vmem>>[vector<16xi32>], vector<16xf32>,
          %parallel_loop3A_339 = tpu.memref_slice %arg10[%parallel_loop3A_323] : memref<65536xf32, #tpu.memory_space<vmem>> -> memref<1024xf32, #tpu.memory_space<vmem>>
          %parallel_loop3A_340 = tpu.vector_load_idx %parallel_loop3A_339[%get3A_303] : memref<1024xf32, #tpu.memory_space<vmem>>[vector<16xi32>], vector<16xf32>,
          %parallel_loop3A_341 = arith.addf %parallel_loop3A_338, %get3A_306 : vector<16xf32>
          %parallel_loop3A_342 = arith.mulf %get3A_309, %parallel_loop3A_340 : vector<16xf32>
          %parallel_loop3A_343 = arith.addf %parallel_loop3A_342, %get3A_312 : vector<16xf32>
          %parallel_loop3A_344 = arith.mulf %parallel_loop3A_341, %parallel_loop3A_343 : vector<16xf32>
          %parallel_loop3A_345 = arith.addf %parallel_loop3A_344, %get3A_315 : vector<16xf32>
          %parallel_loop3A_346 = arith.index_cast %rem3A_153 : i32 to index
          %parallel_loop3A_347 = arith.index_cast %parallel_loop3A_318 : i32 to index
          %parallel_loop3A_348 = arith.index_cast %mul3A_280 : i32 to index
          %parallel_loop3A_349 = tpu.vector_load %arg17[%parallel_loop3A_346, %parallel_loop3A_347, %parallel_loop3A_348] {strides = array<i32>} : memref<3x32x512xf32, #tpu.memory_space<vmem>>, vector<16xf32>,
          tpu.vector_store %arg17[%parallel_loop3A_346, %parallel_loop3A_347, %parallel_loop3A_348], %parallel_loop3A_345 {strides = array<i32>} : memref<3x32x512xf32, #tpu.memory_space<vmem>>, vector<16xf32>,
        } {sc.loop_unroll_factor = 8 : i64, sc.parallel_access}
      }
      %scan3A_248 = arith.constant 16 : i32
      %rem3A_249 = arith.constant 32 : i32
      %rem3A_250 = arith.remsi %scan3A_149, %rem3A_249 : i32
      %div3A_251 = arith.constant 32 : i32
      %div3A_252 = arith.divsi %scan3A_149, %div3A_251 : i32
      %mul3A_253 = arith.constant 32 : i32
      %mul3A_254 = arith.muli %div3A_252, %mul3A_253 : i32
      %add3A_255 = arith.addi %mul3A_2, %mul3A_254 : i32
      %mul3A_256 = arith.constant 512 : i32
      %mul3A_257 = arith.muli %rem3A_250, %mul3A_256 : i32
      %dma_start3A_258 = arith.constant 0 : i32
      %dma_start3A_259 = arith.constant 0 : i32
      %dma_start3A_260 = tpu.memref_slice %arg17[%rem3A_153, %dma_start3A_258, %dma_start3A_259] : memref<3x32x512xf32, #tpu.memory_space<vmem>> -> memref<1x32x512xf32, #tpu.memory_space<vmem>>
      %dma_start3A_261 = tpu.memref_squeeze %dma_start3A_260 : memref<1x32x512xf32, #tpu.memory_space<vmem>> -> memref<32x512xf32, #tpu.memory_space<vmem>>
      %dma_start3A_262 = tpu.memref_slice %arg9[%add3A_255, %mul3A_257] : memref<4096x16384xf32, #tpu.memory_space<hbm>> -> memref<32x512xf32, #tpu.memory_space<hbm>>
      %dma_start3A_263 = tpu.memref_slice %arg9[%add3A_255, %mul3A_257] : memref<4096x16384xf32, #tpu.memory_space<hbm>> -> memref<32x512xf32, #tpu.memory_space<hbm>>
      %dma_start3A_264 = arith.constant 0 : i32
      %dma_start3A_265 = arith.constant 0 : i32
      %dma_start3A_266 = tpu.memref_slice %arg17[%rem3A_153, %dma_start3A_264, %dma_start3A_265] : memref<3x32x512xf32, #tpu.memory_space<vmem>> -> memref<1x32x512xf32, #tpu.memory_space<vmem>>
      %dma_start3A_267 = tpu.memref_squeeze %dma_start3A_266 : memref<1x32x512xf32, #tpu.memory_space<vmem>> -> memref<32x512xf32, #tpu.memory_space<vmem>>
      tpu.enqueue_dma source(%dma_start3A_267 : memref<32x512xf32, #tpu.memory_space<vmem>>) target(%dma_start3A_263 : memref<32x512xf32, #tpu.memory_space<hbm>>) target_semaphore(%arg19 : memref<!tpu.dma_semaphore, #tpu.memory_space<semaphore_mem>>)
    }
    %scan3A_84 = arith.constant 64 : i32
    %rem3A_85 = arith.constant 61 : i32
    %rem3A_86 = arith.constant 32 : i32
    %rem3A_87 = arith.remsi %rem3A_85, %rem3A_86 : i32
    %div3A = arith.constant 61 : i32
    %div3A_88 = arith.constant 32 : i32
    %div3A_89 = arith.divsi %div3A, %div3A_88 : i32
    %mul3A_90 = arith.constant 32 : i32
    %mul3A_91 = arith.muli %div3A_89, %mul3A_90 : i32
    %add3A_92 = arith.addi %mul3A_2, %mul3A_91 : i32
    %mul3A_93 = arith.constant 512 : i32
    %mul3A_94 = arith.muli %rem3A_87, %mul3A_93 : i32
    %dma_wait3A = arith.constant 1 : i32
    %dma_wait3A_95 = arith.constant 0 : i32
    %dma_wait3A_96 = arith.constant 0 : i32
    %dma_wait3A_97 = tpu.memref_slice %arg17[%dma_wait3A, %dma_wait3A_95, %dma_wait3A_96] : memref<3x32x512xf32, #tpu.memory_space<vmem>> -> memref<1x32x512xf32, #tpu.memory_space<vmem>>
    %dma_wait3A_98 = tpu.memref_squeeze %dma_wait3A_97 : memref<1x32x512xf32, #tpu.memory_space<vmem>> -> memref<32x512xf32, #tpu.memory_space<vmem>>
    %dma_wait3A_99 = tpu.memref_slice %arg9[%add3A_92, %mul3A_94] : memref<4096x16384xf32, #tpu.memory_space<hbm>> -> memref<32x512xf32, #tpu.memory_space<hbm>>
    %dma_wait3A_100 = tpu.memref_slice %arg9[%add3A_92, %mul3A_94] : memref<4096x16384xf32, #tpu.memory_space<hbm>> -> memref<32x512xf32, #tpu.memory_space<hbm>>
    %dma_wait3A_101 = arith.constant 0 : i32
    %dma_wait3A_102 = arith.constant 0 : i32
    %dma_wait3A_103 = tpu.memref_slice %arg17[%dma_wait3A, %dma_wait3A_101, %dma_wait3A_102] : memref<3x32x512xf32, #tpu.memory_space<vmem>> -> memref<1x32x512xf32, #tpu.memory_space<vmem>>
    %dma_wait3A_104 = tpu.memref_squeeze %dma_wait3A_103 : memref<1x32x512xf32, #tpu.memory_space<vmem>> -> memref<32x512xf32, #tpu.memory_space<vmem>>
    tpu.wait_dma2 semaphore(%arg19 : memref<!tpu.dma_semaphore, #tpu.memory_space<semaphore_mem>>) src(%dma_wait3A_104 : memref<32x512xf32, #tpu.memory_space<vmem>>) dst(%dma_wait3A_100 : memref<32x512xf32, #tpu.memory_space<hbm>>)
    %rem3A_105 = arith.constant 62 : i32
    %rem3A_106 = arith.constant 32 : i32
    %rem3A_107 = arith.remsi %rem3A_105, %rem3A_106 : i32
    %div3A_108 = arith.constant 62 : i32
    %div3A_109 = arith.constant 32 : i32
    %div3A_110 = arith.divsi %div3A_108, %div3A_109 : i32
    %mul3A_111 = arith.constant 32 : i32
    %mul3A_112 = arith.muli %div3A_110, %mul3A_111 : i32
    %add3A_113 = arith.addi %mul3A_2, %mul3A_112 : i32
    %mul3A_114 = arith.constant 512 : i32
    %mul3A_115 = arith.muli %rem3A_107, %mul3A_114 : i32
    %dma_wait3A_116 = arith.constant 2 : i32
    %dma_wait3A_117 = arith.constant 0 : i32
    %dma_wait3A_118 = arith.constant 0 : i32
    %dma_wait3A_119 = tpu.memref_slice %arg17[%dma_wait3A_116, %dma_wait3A_117, %dma_wait3A_118] : memref<3x32x512xf32, #tpu.memory_space<vmem>> -> memref<1x32x512xf32, #tpu.memory_space<vmem>>
    %dma_wait3A_120 = tpu.memref_squeeze %dma_wait3A_119 : memref<1x32x512xf32, #tpu.memory_space<vmem>> -> memref<32x512xf32, #tpu.memory_space<vmem>>
    %dma_wait3A_121 = tpu.memref_slice %arg9[%add3A_113, %mul3A_115] : memref<4096x16384xf32, #tpu.memory_space<hbm>> -> memref<32x512xf32, #tpu.memory_space<hbm>>
    %dma_wait3A_122 = tpu.memref_slice %arg9[%add3A_113, %mul3A_115] : memref<4096x16384xf32, #tpu.memory_space<hbm>> -> memref<32x512xf32, #tpu.memory_space<hbm>>
    %dma_wait3A_123 = arith.constant 0 : i32
    %dma_wait3A_124 = arith.constant 0 : i32
    %dma_wait3A_125 = tpu.memref_slice %arg17[%dma_wait3A_116, %dma_wait3A_123, %dma_wait3A_124] : memref<3x32x512xf32, #tpu.memory_space<vmem>> -> memref<1x32x512xf32, #tpu.memory_space<vmem>>
    %dma_wait3A_126 = tpu.memref_squeeze %dma_wait3A_125 : memref<1x32x512xf32, #tpu.memory_space<vmem>> -> memref<32x512xf32, #tpu.memory_space<vmem>>
    tpu.wait_dma2 semaphore(%arg19 : memref<!tpu.dma_semaphore, #tpu.memory_space<semaphore_mem>>) src(%dma_wait3A_126 : memref<32x512xf32, #tpu.memory_space<vmem>>) dst(%dma_wait3A_122 : memref<32x512xf32, #tpu.memory_space<hbm>>)
    %rem3A_127 = arith.constant 63 : i32
    %rem3A_128 = arith.constant 32 : i32
    %rem3A_129 = arith.remsi %rem3A_127, %rem3A_128 : i32
    %div3A_130 = arith.constant 63 : i32
    %div3A_131 = arith.constant 32 : i32
    %div3A_132 = arith.divsi %div3A_130, %div3A_131 : i32
    %mul3A_133 = arith.constant 32 : i32
    %mul3A_134 = arith.muli %div3A_132, %mul3A_133 : i32
    %add3A_135 = arith.addi %mul3A_2, %mul3A_134 : i32
    %mul3A_136 = arith.constant 512 : i32
    %mul3A_137 = arith.muli %rem3A_129, %mul3A_136 : i32
    %dma_wait3A_138 = arith.constant 0 : i32
    %dma_wait3A_139 = arith.constant 0 : i32
    %dma_wait3A_140 = arith.constant 0 : i32
    %dma_wait3A_141 = tpu.memref_slice %arg17[%dma_wait3A_138, %dma_wait3A_139, %dma_wait3A_140] : memref<3x32x512xf32, #tpu.memory_space<vmem>> -> memref<1x32x512xf32, #tpu.memory_space<vmem>>
    %dma_wait3A_142 = tpu.memref_squeeze %dma_wait3A_141 : memref<1x32x512xf32, #tpu.memory_space<vmem>> -> memref<32x512xf32, #tpu.memory_space<vmem>>
    %dma_wait3A_143 = tpu.memref_slice %arg9[%add3A_135, %mul3A_137] : memref<4096x16384xf32, #tpu.memory_space<hbm>> -> memref<32x512xf32, #tpu.memory_space<hbm>>
    %dma_wait3A_144 = tpu.memref_slice %arg9[%add3A_135, %mul3A_137] : memref<4096x16384xf32, #tpu.memory_space<hbm>> -> memref<32x512xf32, #tpu.memory_space<hbm>>
    %dma_wait3A_145 = arith.constant 0 : i32
    %dma_wait3A_146 = arith.constant 0 : i32
    %dma_wait3A_147 = tpu.memref_slice %arg17[%dma_wait3A_138, %dma_wait3A_145, %dma_wait3A_146] : memref<3x32x512xf32, #tpu.memory_space<vmem>> -> memref<1x32x512xf32, #tpu.memory_space<vmem>>
    %dma_wait3A_148 = tpu.memref_squeeze %dma_wait3A_147 : memref<1x32x512xf32, #tpu.memory_space<vmem>> -> memref<32x512xf32, #tpu.memory_space<vmem>>
    tpu.wait_dma2 semaphore(%arg19 : memref<!tpu.dma_semaphore, #tpu.memory_space<semaphore_mem>>) src(%dma_wait3A_148 : memref<32x512xf32, #tpu.memory_space<vmem>>) dst(%dma_wait3A_144 : memref<32x512xf32, #tpu.memory_space<hbm>>)
    return
  }
}

module attributes {stable_mosaic.version = 14 : i64} {
  func.func @_coef_body(%arg0: memref<16x16384xf32, #tpu.memory_space<vmem>>, %arg1: memref<1x16384xf32, #tpu.memory_space<vmem>>, %arg2: memref<1x16384xf32, #tpu.memory_space<vmem>>, %arg3: memref<1x16384xf32, #tpu.memory_space<vmem>>, %arg4: memref<1x16384xf32, #tpu.memory_space<vmem>>) attributes {dimension_semantics = [], scalar_prefetch = 0 : i64, scratch_operands = 0 : i64, tpu.core_type = #tpu.core_type<tc>} {
    %get3A = arith.constant 0 : index
    %get3A_0 = arith.constant 0 : index
    %get3A_1 = vector.load %arg0[%get3A, %get3A_0] : memref<16x16384xf32, #tpu.memory_space<vmem>>, vector<16x16384xf32>
    %reduce_max3A = arith.constant dense<0xFF800000> : vector<16384xf32>
    %reduce_max3A_2 = vector.multi_reduction <maximumf>, %get3A_1, %reduce_max3A [0] : vector<16x16384xf32> to vector<16384xf32>
    %broadcast_in_dim3A = vector.shape_cast %reduce_max3A_2 : vector<16384xf32> to vector<1x16384xf32>
    %sub3A = vector.broadcast %broadcast_in_dim3A : vector<1x16384xf32> to vector<16x16384xf32>
    %sub3A_3 = arith.subf %get3A_1, %sub3A : vector<16x16384xf32>
    %exp3A = math.exp %sub3A_3 : vector<16x16384xf32>
    %reduce_sum3A = arith.constant dense<0.000000e+00> : vector<16384xf32>
    %reduce_sum3A_4 = vector.multi_reduction <add>, %exp3A, %reduce_sum3A [0] : vector<16x16384xf32> to vector<16384xf32>
    %broadcast_in_dim3A_5 = vector.shape_cast %reduce_sum3A_4 : vector<16384xf32> to vector<1x16384xf32>
    %div3A = vector.broadcast %broadcast_in_dim3A_5 : vector<1x16384xf32> to vector<16x16384xf32>
    %div3A_6 = arith.divf %exp3A, %div3A : vector<16x16384xf32>
    %slice3A = vector.extract_strided_slice %div3A_6 {offsets = [8, 0], sizes = [1, 16384], strides = [1, 1]} : vector<16x16384xf32> to vector<1x16384xf32>
    %slice3A_7 = vector.extract_strided_slice %div3A_6 {offsets = [9, 0], sizes = [1, 16384], strides = [1, 1]} : vector<16x16384xf32> to vector<1x16384xf32>
    %add3A = arith.addf %slice3A, %slice3A_7 : vector<1x16384xf32>
    %slice3A_8 = vector.extract_strided_slice %div3A_6 {offsets = [10, 0], sizes = [1, 16384], strides = [1, 1]} : vector<16x16384xf32> to vector<1x16384xf32>
    %add3A_9 = arith.addf %add3A, %slice3A_8 : vector<1x16384xf32>
    %slice3A_10 = vector.extract_strided_slice %div3A_6 {offsets = [11, 0], sizes = [1, 16384], strides = [1, 1]} : vector<16x16384xf32> to vector<1x16384xf32>
    %add3A_11 = arith.addf %add3A_9, %slice3A_10 : vector<1x16384xf32>
    %slice3A_12 = vector.extract_strided_slice %div3A_6 {offsets = [12, 0], sizes = [1, 16384], strides = [1, 1]} : vector<16x16384xf32> to vector<1x16384xf32>
    %add3A_13 = arith.addf %add3A_11, %slice3A_12 : vector<1x16384xf32>
    %slice3A_14 = vector.extract_strided_slice %div3A_6 {offsets = [13, 0], sizes = [1, 16384], strides = [1, 1]} : vector<16x16384xf32> to vector<1x16384xf32>
    %add3A_15 = arith.addf %add3A_13, %slice3A_14 : vector<1x16384xf32>
    %slice3A_16 = vector.extract_strided_slice %div3A_6 {offsets = [14, 0], sizes = [1, 16384], strides = [1, 1]} : vector<16x16384xf32> to vector<1x16384xf32>
    %add3A_17 = arith.addf %add3A_15, %slice3A_16 : vector<1x16384xf32>
    %slice3A_18 = vector.extract_strided_slice %div3A_6 {offsets = [15, 0], sizes = [1, 16384], strides = [1, 1]} : vector<16x16384xf32> to vector<1x16384xf32>
    %add3A_19 = arith.addf %add3A_17, %slice3A_18 : vector<1x16384xf32>
    %slice3A_20 = vector.extract_strided_slice %div3A_6 {offsets = [2, 0], sizes = [1, 16384], strides = [1, 1]} : vector<16x16384xf32> to vector<1x16384xf32>
    %slice3A_21 = vector.extract_strided_slice %div3A_6 {offsets = [3, 0], sizes = [1, 16384], strides = [1, 1]} : vector<16x16384xf32> to vector<1x16384xf32>
    %add3A_22 = arith.addf %slice3A_20, %slice3A_21 : vector<1x16384xf32>
    %slice3A_23 = vector.extract_strided_slice %div3A_6 {offsets = [6, 0], sizes = [1, 16384], strides = [1, 1]} : vector<16x16384xf32> to vector<1x16384xf32>
    %add3A_24 = arith.addf %add3A_22, %slice3A_23 : vector<1x16384xf32>
    %slice3A_25 = vector.extract_strided_slice %div3A_6 {offsets = [7, 0], sizes = [1, 16384], strides = [1, 1]} : vector<16x16384xf32> to vector<1x16384xf32>
    %add3A_26 = arith.addf %add3A_24, %slice3A_25 : vector<1x16384xf32>
    %slice3A_27 = vector.extract_strided_slice %div3A_6 {offsets = [8, 0], sizes = [1, 16384], strides = [1, 1]} : vector<16x16384xf32> to vector<1x16384xf32>
    %sub3A_28 = arith.subf %add3A_26, %slice3A_27 : vector<1x16384xf32>
    %slice3A_29 = vector.extract_strided_slice %div3A_6 {offsets = [9, 0], sizes = [1, 16384], strides = [1, 1]} : vector<16x16384xf32> to vector<1x16384xf32>
    %sub3A_30 = arith.subf %sub3A_28, %slice3A_29 : vector<1x16384xf32>
    %slice3A_31 = vector.extract_strided_slice %div3A_6 {offsets = [12, 0], sizes = [1, 16384], strides = [1, 1]} : vector<16x16384xf32> to vector<1x16384xf32>
    %sub3A_32 = arith.subf %sub3A_30, %slice3A_31 : vector<1x16384xf32>
    %slice3A_33 = vector.extract_strided_slice %div3A_6 {offsets = [13, 0], sizes = [1, 16384], strides = [1, 1]} : vector<16x16384xf32> to vector<1x16384xf32>
    %sub3A_34 = arith.subf %sub3A_32, %slice3A_33 : vector<1x16384xf32>
    %slice3A_35 = vector.extract_strided_slice %div3A_6 {offsets = [4, 0], sizes = [1, 16384], strides = [1, 1]} : vector<16x16384xf32> to vector<1x16384xf32>
    %slice3A_36 = vector.extract_strided_slice %div3A_6 {offsets = [5, 0], sizes = [1, 16384], strides = [1, 1]} : vector<16x16384xf32> to vector<1x16384xf32>
    %add3A_37 = arith.addf %slice3A_35, %slice3A_36 : vector<1x16384xf32>
    %slice3A_38 = vector.extract_strided_slice %div3A_6 {offsets = [6, 0], sizes = [1, 16384], strides = [1, 1]} : vector<16x16384xf32> to vector<1x16384xf32>
    %add3A_39 = arith.addf %add3A_37, %slice3A_38 : vector<1x16384xf32>
    %slice3A_40 = vector.extract_strided_slice %div3A_6 {offsets = [7, 0], sizes = [1, 16384], strides = [1, 1]} : vector<16x16384xf32> to vector<1x16384xf32>
    %add3A_41 = arith.addf %add3A_39, %slice3A_40 : vector<1x16384xf32>
    %slice3A_42 = vector.extract_strided_slice %div3A_6 {offsets = [8, 0], sizes = [1, 16384], strides = [1, 1]} : vector<16x16384xf32> to vector<1x16384xf32>
    %sub3A_43 = arith.subf %add3A_41, %slice3A_42 : vector<1x16384xf32>
    %slice3A_44 = vector.extract_strided_slice %div3A_6 {offsets = [9, 0], sizes = [1, 16384], strides = [1, 1]} : vector<16x16384xf32> to vector<1x16384xf32>
    %sub3A_45 = arith.subf %sub3A_43, %slice3A_44 : vector<1x16384xf32>
    %slice3A_46 = vector.extract_strided_slice %div3A_6 {offsets = [10, 0], sizes = [1, 16384], strides = [1, 1]} : vector<16x16384xf32> to vector<1x16384xf32>
    %sub3A_47 = arith.subf %sub3A_45, %slice3A_46 : vector<1x16384xf32>
    %slice3A_48 = vector.extract_strided_slice %div3A_6 {offsets = [11, 0], sizes = [1, 16384], strides = [1, 1]} : vector<16x16384xf32> to vector<1x16384xf32>
    %sub3A_49 = arith.subf %sub3A_47, %slice3A_48 : vector<1x16384xf32>
    %slice3A_50 = vector.extract_strided_slice %div3A_6 {offsets = [1, 0], sizes = [1, 16384], strides = [1, 1]} : vector<16x16384xf32> to vector<1x16384xf32>
    %slice3A_51 = vector.extract_strided_slice %div3A_6 {offsets = [2, 0], sizes = [1, 16384], strides = [1, 1]} : vector<16x16384xf32> to vector<1x16384xf32>
    %sub3A_52 = arith.subf %slice3A_50, %slice3A_51 : vector<1x16384xf32>
    %slice3A_53 = vector.extract_strided_slice %div3A_6 {offsets = [4, 0], sizes = [1, 16384], strides = [1, 1]} : vector<16x16384xf32> to vector<1x16384xf32>
    %sub3A_54 = arith.subf %sub3A_52, %slice3A_53 : vector<1x16384xf32>
    %slice3A_55 = vector.extract_strided_slice %div3A_6 {offsets = [6, 0], sizes = [1, 16384], strides = [1, 1]} : vector<16x16384xf32> to vector<1x16384xf32>
    %mul3A = arith.constant 2.000000e+00 : f32
    %mul3A_56 = vector.broadcast %mul3A : f32 to vector<1x16384xf32>
    %mul3A_57 = arith.mulf %mul3A_56, %slice3A_55 : vector<1x16384xf32>
    %sub3A_58 = arith.subf %sub3A_54, %mul3A_57 : vector<1x16384xf32>
    %slice3A_59 = vector.extract_strided_slice %div3A_6 {offsets = [7, 0], sizes = [1, 16384], strides = [1, 1]} : vector<16x16384xf32> to vector<1x16384xf32>
    %sub3A_60 = arith.subf %sub3A_58, %slice3A_59 : vector<1x16384xf32>
    %slice3A_61 = vector.extract_strided_slice %div3A_6 {offsets = [8, 0], sizes = [1, 16384], strides = [1, 1]} : vector<16x16384xf32> to vector<1x16384xf32>
    %add3A_62 = arith.addf %sub3A_60, %slice3A_61 : vector<1x16384xf32>
    %slice3A_63 = vector.extract_strided_slice %div3A_6 {offsets = [9, 0], sizes = [1, 16384], strides = [1, 1]} : vector<16x16384xf32> to vector<1x16384xf32>
    %mul3A_64 = arith.constant 2.000000e+00 : f32
    %mul3A_65 = vector.broadcast %mul3A_64 : f32 to vector<1x16384xf32>
    %mul3A_66 = arith.mulf %mul3A_65, %slice3A_63 : vector<1x16384xf32>
    %add3A_67 = arith.addf %add3A_62, %mul3A_66 : vector<1x16384xf32>
    %slice3A_68 = vector.extract_strided_slice %div3A_6 {offsets = [11, 0], sizes = [1, 16384], strides = [1, 1]} : vector<16x16384xf32> to vector<1x16384xf32>
    %add3A_69 = arith.addf %add3A_67, %slice3A_68 : vector<1x16384xf32>
    %slice3A_70 = vector.extract_strided_slice %div3A_6 {offsets = [13, 0], sizes = [1, 16384], strides = [1, 1]} : vector<16x16384xf32> to vector<1x16384xf32>
    %add3A_71 = arith.addf %add3A_69, %slice3A_70 : vector<1x16384xf32>
    %slice3A_72 = vector.extract_strided_slice %div3A_6 {offsets = [14, 0], sizes = [1, 16384], strides = [1, 1]} : vector<16x16384xf32> to vector<1x16384xf32>
    %sub3A_73 = arith.subf %add3A_71, %slice3A_72 : vector<1x16384xf32>
    %ge3A = arith.constant 0.000000e+00 : f32
    %ge3A_74 = vector.broadcast %ge3A : f32 to vector<1x16384xf32>
    %ge3A_75 = arith.cmpf oge, %sub3A_73, %ge3A_74 : vector<1x16384xf32>
    %max3A = arith.constant 1.000000e-03 : f32
    %max3A_76 = vector.broadcast %max3A : f32 to vector<1x16384xf32>
    %max3A_77 = arith.maximumf %sub3A_73, %max3A_76 : vector<1x16384xf32>
    %min3A = arith.constant -1.000000e-03 : f32
    %min3A_78 = vector.broadcast %min3A : f32 to vector<1x16384xf32>
    %min3A_79 = arith.minimumf %sub3A_73, %min3A_78 : vector<1x16384xf32>
    %select_n3A = arith.select %ge3A_75, %max3A_77, %min3A_79 : vector<1x16384xi1>, vector<1x16384xf32>
    %div3A_80 = arith.divf %sub3A_49, %select_n3A : vector<1x16384xf32>
    %swap3A = arith.constant 0 : index
    %swap3A_81 = arith.constant 0 : index
    %swap3A_82 = vector.load %arg1[%swap3A, %swap3A_81] : memref<1x16384xf32, #tpu.memory_space<vmem>>, vector<1x16384xf32>
    tpu.vector_store %arg1[%swap3A, %swap3A_81], %div3A_80 {strides = array<i32>} : memref<1x16384xf32, #tpu.memory_space<vmem>>, vector<1x16384xf32>,
    %swap3A_83 = arith.constant 0 : index
    %swap3A_84 = arith.constant 0 : index
    %swap3A_85 = vector.load %arg2[%swap3A_83, %swap3A_84] : memref<1x16384xf32, #tpu.memory_space<vmem>>, vector<1x16384xf32>
    tpu.vector_store %arg2[%swap3A_83, %swap3A_84], %select_n3A {strides = array<i32>} : memref<1x16384xf32, #tpu.memory_space<vmem>>, vector<1x16384xf32>,
    %swap3A_86 = arith.constant 0 : index
    %swap3A_87 = arith.constant 0 : index
    %swap3A_88 = vector.load %arg3[%swap3A_86, %swap3A_87] : memref<1x16384xf32, #tpu.memory_space<vmem>>, vector<1x16384xf32>
    tpu.vector_store %arg3[%swap3A_86, %swap3A_87], %sub3A_34 {strides = array<i32>} : memref<1x16384xf32, #tpu.memory_space<vmem>>, vector<1x16384xf32>,
    %mul3A_89 = arith.mulf %sub3A_34, %div3A_80 : vector<1x16384xf32>
    %sub3A_90 = arith.subf %add3A_19, %mul3A_89 : vector<1x16384xf32>
    %swap3A_91 = arith.constant 0 : index
    %swap3A_92 = arith.constant 0 : index
    %swap3A_93 = vector.load %arg4[%swap3A_91, %swap3A_92] : memref<1x16384xf32, #tpu.memory_space<vmem>>, vector<1x16384xf32>
    tpu.vector_store %arg4[%swap3A_91, %swap3A_92], %sub3A_90 {strides = array<i32>} : memref<1x16384xf32, #tpu.memory_space<vmem>>, vector<1x16384xf32>,
    return
  }
}

module attributes {stable_mosaic.version = 14 : i64} {
  func.func @_tc_body(%arg0: i32, %arg1: memref<2048x1024xf32, #tpu.memory_space<vmem>>, %arg2: memref<1x1x512xi32, #tpu.memory_space<vmem>>, %arg3: memref<1x1x512xi32, #tpu.memory_space<vmem>>, %arg4: memref<1x512xf32, #tpu.memory_space<vmem>>, %arg5: memref<1x512xf32, #tpu.memory_space<vmem>>, %arg6: memref<1x512xf32, #tpu.memory_space<vmem>>, %arg7: memref<1x512xf32, #tpu.memory_space<vmem>>, %arg8: memref<2048x512xbf16, #tpu.memory_space<vmem>>, %arg9: memref<2048x1024xbf16, #tpu.memory_space<vmem>>) attributes {dimension_semantics = [#tpu.dimension_semantics<arbitrary>], iteration_bounds = array<i64: 32>, scalar_prefetch = 0 : i64, scratch_operands = 1 : i64, tpu.core_type = #tpu.core_type<tc>, window_params = [{transform_indices = @transform_0, window_bounds = array<i64: 2048, 1024>}, {transform_indices = @transform_1, window_bounds = array<i64: 1, 1, 512>}, {transform_indices = @transform_2, window_bounds = array<i64: 1, 1, 512>}, {transform_indices = @transform_3, window_bounds = array<i64: 1, 512>}, {transform_indices = @transform_4, window_bounds = array<i64: 1, 512>}, {transform_indices = @transform_5, window_bounds = array<i64: 1, 512>}, {transform_indices = @transform_6, window_bounds = array<i64: 1, 512>}, {transform_indices = @transform_7, window_bounds = array<i64: 2048, 512>}]} {
    %eq3A = arith.constant 0 : i32
    %eq3A_0 = arith.cmpi eq, %arg0, %eq3A : i32
    %convert_element_type3A = arith.extui %eq3A_0 : i1 to i32
    %cond3A = arith.constant 0 : i32
    %cond3A_1 = arith.cmpi ne, %convert_element_type3A, %cond3A : i32
    scf.if %cond3A_1 {
      %get3A_50 = arith.constant 0 : index
      %get3A_51 = arith.constant 0 : index
      %get3A_52 = vector.load %arg1[%get3A_50, %get3A_51] : memref<2048x1024xf32, #tpu.memory_space<vmem>>, vector<2048x1024xf32>
      %convert_element_type3A_53 = arith.truncf %get3A_52 : vector<2048x1024xf32> to vector<2048x1024xbf16>
      %swap3A_54 = arith.constant 0 : index
      %swap3A_55 = arith.constant 0 : index
      %swap3A_56 = vector.load %arg9[%swap3A_54, %swap3A_55] : memref<2048x1024xbf16, #tpu.memory_space<vmem>>, vector<2048x1024xbf16>
      tpu.vector_store %arg9[%swap3A_54, %swap3A_55], %convert_element_type3A_53 {strides = array<i32>} : memref<2048x1024xbf16, #tpu.memory_space<vmem>>, vector<2048x1024xbf16>,
    } else {
    }
    %get3A = arith.constant 0 : index
    %get3A_2 = arith.constant 0 : index
    %get3A_3 = arith.constant 0 : index
    %get3A_4 = vector.load %arg2[%get3A, %get3A_2, %get3A_3] : memref<1x1x512xi32, #tpu.memory_space<vmem>>, vector<1x1x512xi32>
    %get3A_5 = vector.shape_cast %get3A_4 : vector<1x1x512xi32> to vector<512xi32>
    %get3A_6 = arith.constant 0 : index
    %get3A_7 = arith.constant 0 : index
    %get3A_8 = arith.constant 0 : index
    %get3A_9 = vector.load %arg3[%get3A_6, %get3A_7, %get3A_8] : memref<1x1x512xi32, #tpu.memory_space<vmem>>, vector<1x1x512xi32>
    %get3A_10 = vector.shape_cast %get3A_9 : vector<1x1x512xi32> to vector<512xi32>
    %iota3A = tpu.iota {dimensions = array<i32: 0>} : vector<1024x512xi32>
    %broadcast_in_dim3A = vector.shape_cast %get3A_5 : vector<512xi32> to vector<1x512xi32>
    %eq3A_11 = vector.broadcast %broadcast_in_dim3A : vector<1x512xi32> to vector<1024x512xi32>
    %eq3A_12 = arith.cmpi eq, %iota3A, %eq3A_11 : vector<1024x512xi32>
    %convert_element_type3A_13 = arith.extui %eq3A_12 : vector<1024x512xi1> to vector<1024x512xi32>
    %convert_element_type3A_14 = arith.sitofp %convert_element_type3A_13 : vector<1024x512xi32> to vector<1024x512xf32>
    %convert_element_type3A_15 = arith.truncf %convert_element_type3A_14 : vector<1024x512xf32> to vector<1024x512xbf16>
    %broadcast_in_dim3A_16 = vector.shape_cast %get3A_10 : vector<512xi32> to vector<1x512xi32>
    %eq3A_17 = vector.broadcast %broadcast_in_dim3A_16 : vector<1x512xi32> to vector<1024x512xi32>
    %eq3A_18 = arith.cmpi eq, %iota3A, %eq3A_17 : vector<1024x512xi32>
    %convert_element_type3A_19 = arith.extui %eq3A_18 : vector<1024x512xi1> to vector<1024x512xi32>
    %convert_element_type3A_20 = arith.sitofp %convert_element_type3A_19 : vector<1024x512xi32> to vector<1024x512xf32>
    %convert_element_type3A_21 = arith.truncf %convert_element_type3A_20 : vector<1024x512xf32> to vector<1024x512xbf16>
    %get3A_22 = arith.constant 0 : index
    %get3A_23 = arith.constant 0 : index
    %get3A_24 = vector.load %arg9[%get3A_22, %get3A_23] : memref<2048x1024xbf16, #tpu.memory_space<vmem>>, vector<2048x1024xbf16>
    %dot_general3A = arith.constant dense<0.000000e+00> : vector<2048x512xf32>
    %dot_general3A_25 = tpu.matmul %get3A_24, %convert_element_type3A_15, %dot_general3A {dimension_numbers = #tpu.dot_dimension_numbers<[1], [0], [0], [1], [0, 0, 1, 1], [], []>, transpose_lhs_hint = false} : vector<2048x1024xbf16>, vector<1024x512xbf16>, vector<2048x512xf32> -> vector<2048x512xf32>
    %dot_general3A_26 = arith.constant dense<0.000000e+00> : vector<2048x512xf32>
    %dot_general3A_27 = tpu.matmul %get3A_24, %convert_element_type3A_21, %dot_general3A_26 {dimension_numbers = #tpu.dot_dimension_numbers<[1], [0], [0], [1], [0, 0, 1, 1], [], []>, transpose_lhs_hint = false} : vector<2048x1024xbf16>, vector<1024x512xbf16>, vector<2048x512xf32> -> vector<2048x512xf32>
    %get3A_28 = arith.constant 0 : index
    %get3A_29 = arith.constant 0 : index
    %get3A_30 = vector.load %arg4[%get3A_28, %get3A_29] : memref<1x512xf32, #tpu.memory_space<vmem>>, vector<1x512xf32>
    %get3A_31 = arith.constant 0 : index
    %get3A_32 = arith.constant 0 : index
    %get3A_33 = vector.load %arg5[%get3A_31, %get3A_32] : memref<1x512xf32, #tpu.memory_space<vmem>>, vector<1x512xf32>
    %get3A_34 = arith.constant 0 : index
    %get3A_35 = arith.constant 0 : index
    %get3A_36 = vector.load %arg6[%get3A_34, %get3A_35] : memref<1x512xf32, #tpu.memory_space<vmem>>, vector<1x512xf32>
    %get3A_37 = arith.constant 0 : index
    %get3A_38 = arith.constant 0 : index
    %get3A_39 = vector.load %arg7[%get3A_37, %get3A_38] : memref<1x512xf32, #tpu.memory_space<vmem>>, vector<1x512xf32>
    %add3A = vector.broadcast %get3A_30 : vector<1x512xf32> to vector<2048x512xf32>
    %add3A_40 = arith.addf %dot_general3A_25, %add3A : vector<2048x512xf32>
    %mul3A = vector.broadcast %get3A_33 : vector<1x512xf32> to vector<2048x512xf32>
    %mul3A_41 = arith.mulf %mul3A, %dot_general3A_27 : vector<2048x512xf32>
    %add3A_42 = vector.broadcast %get3A_36 : vector<1x512xf32> to vector<2048x512xf32>
    %add3A_43 = arith.addf %mul3A_41, %add3A_42 : vector<2048x512xf32>
    %mul3A_44 = arith.mulf %add3A_40, %add3A_43 : vector<2048x512xf32>
    %add3A_45 = vector.broadcast %get3A_39 : vector<1x512xf32> to vector<2048x512xf32>
    %add3A_46 = arith.addf %mul3A_44, %add3A_45 : vector<2048x512xf32>
    %convert_element_type3A_47 = arith.truncf %add3A_46 : vector<2048x512xf32> to vector<2048x512xbf16>
    %swap3A = arith.constant 0 : index
    %swap3A_48 = arith.constant 0 : index
    %swap3A_49 = vector.load %arg8[%swap3A, %swap3A_48] : memref<2048x512xbf16, #tpu.memory_space<vmem>>, vector<2048x512xbf16>
    tpu.vector_store %arg8[%swap3A, %swap3A_48], %convert_element_type3A_47 {strides = array<i32>} : memref<2048x512xbf16, #tpu.memory_space<vmem>>, vector<2048x512xbf16>,
    return
  }
  func.func @transform_0(%arg0: i32) -> (i32, i32) {
    %c1_i32 = arith.constant 1 : i32
    %c0_i32 = arith.constant 0 : i32
    %c0_i32_0 = arith.constant 0 : i32
    return %c1_i32, %c0_i32 : i32, i32
  }
  func.func @transform_1(%arg0: i32) -> (i32, i32, i32) {
    %c0_i32 = arith.constant 0 : i32
    %c0_i32_0 = arith.constant 0 : i32
    %c0_i32_1 = arith.constant 0 : i32
    return %arg0, %c0_i32, %c0_i32_0 : i32, i32, i32
  }
  func.func @transform_2(%arg0: i32) -> (i32, i32, i32) {
    %c0_i32 = arith.constant 0 : i32
    %c0_i32_0 = arith.constant 0 : i32
    %c0_i32_1 = arith.constant 0 : i32
    return %arg0, %c0_i32, %c0_i32_0 : i32, i32, i32
  }
  func.func @transform_3(%arg0: i32) -> (i32, i32) {
    %c0_i32 = arith.constant 0 : i32
    %c0_i32_0 = arith.constant 0 : i32
    return %c0_i32, %arg0 : i32, i32
  }
  func.func @transform_4(%arg0: i32) -> (i32, i32) {
    %c0_i32 = arith.constant 0 : i32
    %c0_i32_0 = arith.constant 0 : i32
    return %c0_i32, %arg0 : i32, i32
  }
  func.func @transform_5(%arg0: i32) -> (i32, i32) {
    %c0_i32 = arith.constant 0 : i32
    %c0_i32_0 = arith.constant 0 : i32
    return %c0_i32, %arg0 : i32, i32
  }
  func.func @transform_6(%arg0: i32) -> (i32, i32) {
    %c0_i32 = arith.constant 0 : i32
    %c0_i32_0 = arith.constant 0 : i32
    return %c0_i32, %arg0 : i32, i32
  }
  func.func @transform_7(%arg0: i32) -> (i32, i32) {
    %c0_i32 = arith.constant 0 : i32
    %c0_i32_0 = arith.constant 0 : i32
    return %c0_i32, %arg0 : i32, i32
  }
}

</mosaic_0001>

<sc_bundles>
// kernel: kernel.5.cloned.1.call-start
scs
__scs_entry_jumppad:
0x0: {  	(pc) =	sbr.rel $0x88, $3  }
0x1: {  	(tag) =	ssettag $0x0;
	lr =	simm.s32 $0x1  }
0x2: {  	[smem:$0x3F9D] =	sst lr;
	_ =	strace $0xD0000000  }
0x3: {  	_ = 	snop  }
0x4: {  	_ = 	snop  }
0x5: {  	_ = 	snop  }
0x6: {  	_ = 	snop  }
0x7: {  	_ = 	snop  }
__scs_overlays_trampoline_lowered:
0x8: {  	[smem:$0x3FAC] =	sst s0  }
0x9: {  	[smem:$0x3FAD] =	sst s1  }
0xa: {  	[smem:$0x3FAE] =	sst s2  }
0xb: {  	[smem:$0x3FAF] =	sst s3  }
0xc: {  	[smem:$0x3FB0] =	sst s4  }
0xd: {  	[smem:$0x3FB1] =	sst s5  }
0xe: {  	[smem:$0x3FB2] =	sst s6  }
0xf: {  	[smem:$0x3FB3] =	sst s7  }
0x10: {  	[smem:$0x3FB4] =	sst s8  }
0x11: {  	[smem:$0x3FB5] =	sst s9;
	s0 =	simm.s32 @!p0 $0x0  }
0x12: {  	s1 =	sld [smem:$0x3F9B];
	s0 =	simm.s32 @p0 $0x1  }
0x13: {  	[smem:$0x3FB6] =	sst s0;
	s0 =	simm.s32 @!p1 $0x0  }
0x14: {  	s2 =	sld [smem:$0x3F9A];
	s0 =	simm.s32 @p1 $0x1  }
0x15: {  	[smem:$0x3FB7] =	sst s0;
	s0 =	simm.s32 @!p2 $0x0  }
0x16: {  	s3 =	sld [smem:$0x3FDB];
	s0 =	simm.s32 @p2 $0x1  }
0x17: {  	s4 =	simm.s32 $0x1BF5;
	[smem:$0x3FB9] =	sst s0  }
0x18: {  	s0 =	sld [smem:$0x3F9C];
	_ =	swait.ge [sflag:s4], $0x0  }
0x19: {  	s7 =	sld [smem:$0x3F9D]  }
0x1a: {  	s8 =	sadd.s32 $0xFFFFE003, lr  }
0x1b: {  	s9 =	sadd.s32 $0xFFFFFEF7, lr;
	s5 =	simm.s32 $0xFFFFFFFF;
	p2 =	slt.u32 s8, $0xFFFFF086  }
0x1c: {  	p1 =	slt.u32 s9, $0xF7A;
	s5 =	simm.s32 @!p2 $0x0  }
0x1d: {  	s5 =	simm.s32 @p1 $0x1;
	p0 =	seq.s32 s7, s2  }
0x1e: {  	s7 =	smul.u32 @!p0 $0xF7A, s2;
	p2 =	seq.s32 @!p0 s5, $0x0  }
0x1f: {  	s9 =	smul.u32 $0xF7A, s1;
	s8 =	simm.s32 @!p0 $0x1BF5;
	p2 =	por !p2, p0  }
0x20: {  	[sflag:s8] =	ssyncset.s32 @!p0 $0xFFFFF086;
	s6 =	sadd.s32 @!p0 s3, s7;
	s7 =	simm.s32 @!p0 $0x108  }
0x21: {  	s3 =	sadd.s32 s3, s9;
	s6 =	sadd.s32 @!p0 $0x88, s6;
	s7 =	simm.s32 @p2 $0x1082  }
0x22: {  	[simem:s7], [sflag:s8] =	dma.local @!p0 [hbm:s6], $0xF7A  }
0x23: {  	s9 =	sor.u32 $0xD0000000, s2;
	s6 =	simm.s32 $0x108;
	_ =	swait.ge @!p0 [sflag:s8], $0x0  }
0x24: {  	s3 =	sadd.s32 $0x88, s3;
	s6 =	simm.s32 @!p1 $0x1082;
	[sflag:s4] =	ssyncset.s32 $0xFFFFF086  }
0x25: {  	[simem:s6], [sflag:s4] =	dma.local [hbm:s3], $0xF7A  }
0x26: {  	[smem:$0x3F9D] =	sst s1;
	(tag) =	ssettag s2;
	_ =	strace s9  }
0x27: {  	s1 =	sld [smem:$0x3FAD]  }
0x28: {  	s2 =	sld [smem:$0x3FAE]  }
0x29: {  	s4 =	sld [smem:$0x3FB0]  }
0x2a: {  	p0 =	seq.s32 s5, $0x0;
	s5 =	sld [smem:$0x3FB1]  }
0x2b: {  	s6 =	sld [smem:$0x3FB2]  }
0x2c: {  	s7 =	sld [smem:$0x3FB3]  }
0x2d: {  	s3 =	simm.s32 $0x108;
	s8 =	sld [smem:$0x3FB4]  }
0x2e: {  	s3 =	simm.s32 @!p0 $0x1082;
	s9 =	sld [smem:$0x3FB5]  }
0x2f: {  	lr =	sadd.s32 s0, s3;
	s0 =	sld [smem:$0x3FAC]  }
0x30: {  	s3 =	sld [smem:$0x3FAF]  }
0x31: {  	[smem:$0x3FB8] =	sst s10  }
0x32: {  	s10 =	sld [smem:$0x3FB6];
	_ =	sdelay $0x3  }
0x33: {  	p0 =	seq.s32 s10, $0x1;
	s10 =	sld [smem:$0x3FB8];
	_ =	sdelay $0x3  }
0x34: {  	[smem:$0x3FB8] =	sst s10  }
0x35: {  	s10 =	sld [smem:$0x3FB7];
	_ =	sdelay $0x3  }
0x36: {  	p1 =	seq.s32 s10, $0x1;
	s10 =	sld [smem:$0x3FB8];
	_ =	sdelay $0x3  }
0x37: {  	[smem:$0x3FB8] =	sst s10  }
0x38: {  	s10 =	sld [smem:$0x3FB9]  }
0x39: {  	_ = 	snop;
	(pc) =	sbr.ind lr, $3  }
0x3a: {  	_ = 	snop  }
0x3b: {  	_ = 	snop  }
0x3c: {  	p2 =	seq.s32 s10, $0x1;
	s10 =	sld [smem:$0x3FB8]  }
0x3d: {  	_ =	shalt  }
0x3e: {  	_ =	shalt  }
0x3f: {  	_ =	shalt  }
0x40: {  	_ =	shalt  }
0x41: {  	_ =	shalt  }
0x42: {  	_ =	shalt  }
0x43: {  	_ =	shalt  }
0x44: {  	_ =	shalt  }
0x45: {  	_ =	shalt  }
0x46: {  	_ =	shalt  }
0x47: {  	_ =	shalt  }
0x48: {  	_ =	shalt  }
0x49: {  	_ =	shalt  }
0x4a: {  	_ =	shalt  }
0x4b: {  	_ =	shalt  }
0x4c: {  	_ =	shalt  }
0x4d: {  	_ =	shalt  }
0x4e: {  	_ =	shalt  }
0x4f: {  	_ =	shalt  }
0x50: {  	_ =	shalt  }
0x51: {  	_ =	shalt  }
0x52: {  	_ =	shalt  }
0x53: {  	_ =	shalt  }
0x54: {  	_ =	shalt  }
0x55: {  	_ =	shalt  }
0x56: {  	_ =	shalt  }
0x57: {  	_ =	shalt  }
0x58: {  	_ =	shalt  }
0x59: {  	_ =	shalt  }
0x5a: {  	_ =	shalt  }
0x5b: {  	_ =	shalt  }
0x5c: {  	_ =	shalt  }
0x5d: {  	_ =	shalt  }
0x5e: {  	_ =	shalt  }
0x5f: {  	_ =	shalt  }
0x60: {  	_ =	shalt  }
0x61: {  	_ =	shalt  }
0x62: {  	_ =	shalt  }
0x63: {  	_ =	shalt  }
0x64: {  	_ =	shalt  }
0x65: {  	_ =	shalt  }
0x66: {  	_ =	shalt  }
0x67: {  	_ =	shalt  }
0x68: {  	_ =	shalt  }
0x69: {  	_ =	shalt  }
0x6a: {  	_ =	shalt  }
0x6b: {  	_ =	shalt  }
0x6c: {  	_ =	shalt  }
0x6d: {  	_ =	shalt  }
0x6e: {  	_ =	shalt  }
0x6f: {  	_ =	shalt  }
0x70: {  	_ =	shalt  }
0x71: {  	_ =	shalt  }
0x72: {  	_ =	shalt  }
0x73: {  	_ =	shalt  }
0x74: {  	_ =	shalt  }
0x75: {  	_ =	shalt  }
0x76: {  	_ =	shalt  }
0x77: {  	_ =	shalt  }
0x78: {  	_ =	shalt  }
0x79: {  	_ =	shalt  }
0x7a: {  	_ =	shalt  }
0x7b: {  	_ =	shalt  }
0x7c: {  	_ =	shalt  }
0x7d: {  	_ =	shalt  }
0x7e: {  	_ =	shalt  }
0x7f: {  	_ =	shalt  }
0x80: {  	_ =	shalt  }
0x81: {  	_ =	shalt  }
0x82: {  	_ =	shalt  }
0x83: {  	_ =	shalt  }
0x84: {  	_ =	shalt  }
0x85: {  	_ =	shalt  }
0x86: {  	_ =	shalt  }
0x87: {  	_ =	shalt  }
.Lfunc_end0:
.L_simem_size_0:
called_computation_lowered:
.L_overlay_start_0:
0x88: {  	s2 =	sld [smem:$0x3FD9]  }
0x89: {  	s3 =	sld [smem:$0x3FFE];
	_ =	sdelay $0x1  }
0x8a: {  	s1 =	srdreg.scid  }
0x8b: {  	s0 =	sand.u32 $0x1, s1  }
0x8c: {  	s17 =	sshll.u32 s0, $0xA;
	s2 =	sadd.s32 s3, s2  }
0x8d: {  	s2 =	sadd.s32 s2, s17  }
0x8e: {  	[smem:$0x3FC4] =	sst s2  }
0x8f: {  	_ = 	snop  }
0x90: {  	s2 =	sld [smem:$0x3FC7]  }
0x91: {  	s18 =	sld [smem:$0x3FC6]  }
0x92: {  	s4 =	sld [smem:$0x3FD0];
	(tm) =	ssettm $0x1  }
0x93: {  	s5 =	sld [smem:$0x3FFB];
	_ =	sdelay $0x3  }
0x94: {  	_ =	strace s5  }
0x95: {  	s5 =	sld [smem:$0x3FFC];
	_ =	sdelay $0x3  }
0x96: {  	_ =	strace s5  }
0x97: {  	s5 =	sld [smem:$0x3FFD];
	_ =	sdelay $0x3  }
0x98: {  	_ =	strace s5  }
0x99: {  	_ =	strace $0x8FFFFFFF  }
0x9a: {  	s19 =	sld [smem:$0x3FDB];
	_ =	sdelay $0x1  }
0x9b: {  	s6 =	simm.s32 $_scs_section_size  }
0x9c: {  	s7 =	simm.s32 $_size__tile_overlayer_lowered;
	s8 =	simm.s32 $_tile_overlayer_lowered  }
0x9d: {  	s22 =	simm.s32 $0x1BFF;
	s21 =	sshll.u32 s8, $0x1;
	s5 =	sadd.s32 s6, s19  }
0x9e: {  	s9 =	simm.s32 $0x0;
	s20 =	sshll.u32 s7, $0x1;
	s7 =	sadd.s32 s21, s5  }
0x9f: {  	[timem:s9], [sflag:s22] =	dma.local [hbm:s7], s20  }
0xa0: {  	_ =	swait.ge [sflag:s22], s20  }
0xa1: {  	s6 =	ssub.s32 $0x0, s20;
	[sflag:s22] =	ssyncset.done $0x0  }
0xa2: {  	[sflag:s22] =	ssyncadd.s32 s6;
	_ =	sdelay $0x1  }
0xa3: {  	s23 =	simm.s32 $0x1B8B  }
0xa4: {  	_ =	swait.ge [sflag:s23], $0x1  }
0xa5: {  	[sflag:s23] =	ssyncset.done $0x0  }
0xa6: {  	s25 =	simm.s32 $0x1B8E;
	s24 =	sld [smem:$0x3FFE];
	[sflag:s23] =	ssyncadd.s32 $0xFFFFFFFF  }
0xa7: {  	s26 =	simm.s32 $execute0_lowered;
	[smem:$0x3FD2] =	sst s25  }
0xa8: {  	s7 =	sshll.u32 s26, $0x1;
	_ =	strace $0x80000046;
	[dreg:$0x1] =	wrdreg $0xFFFFFFFF  }
0xa9: {  	s28 =	simm.s32 $_size_execute0_lowered;
	s5 =	sadd.s32 s5, s7;
	[dreg:$0x0] =	wrdreg $0x0  }
0xaa: {  	s7 =	sshll.u32 s28, $0x1;
	[dreg:$0x2] =	wrdreg s5  }
0xab: {  	[dreg:$0x3] =	wrdreg s7  }
0xac: {  	[dreg:$0x4] =	wrdreg $0xC0  }
0xad: {  	_ =	task [dreg:s9], $0x5FFFF  }
0xae: {  	[dreg:$0x1] =	wrdreg $0xFFFFFFFF  }
0xaf: {  	[dreg:$0x0] =	wrdreg $0x60  }
0xb0: {  	[dreg:$0x2] =	wrdreg s24  }
0xb1: {  	[dreg:$0x3] =	wrdreg s2  }
0xb2: {  	[dreg:$0x4] =	wrdreg s18  }
0xb3: {  	[dreg:$0x5] =	wrdreg s4  }
0xb4: {  	[dreg:$0x6] =	wrdreg $0x9  }
0xb5: {  	_ =	task.clear_ibuf [dreg:s9], $0x7FFFF;
	_ =	strace $0x90000046  }
0xb6: {  	s29 =	simm.s32 $0x9;
	_ =	strace $0x80000048  }
0xb7: {  	_ =	swait.ge [sflag:s29], $0x1  }
0xb8: {  	[sflag:s29] =	ssyncadd.s32 $0xFFFFFFFF  }
0xb9: {  	_ =	strace $0x90000048  }
0xba: {  	_ =	sfence  }
0xbb: {  	s30 =	sld [smem:$0x0];
	_ =	sdelay $0x2  }
0xbc: {  	s31 =	sshll.u32 s1, $0xD;
	s1 =	sshrl.u32 s1, $0x2  }
0xbd: {  	s3 =	sand.u32 $0x4000, s31;
	s1 =	sadd.s32 s1, s30  }
0xbe: {  	s0 =	sor.u32 s3, s0;
	s1 =	sshll.u32 s1, $0x11  }
0xbf: {  	s0 =	sor.u32 s1, s0  }
0xc0: {  	s0 =	sadd.s32 $0x8F2B, s0  }
0xc1: {  	[sflag:s0] =	ssyncadd.remote.s32 $0x1  }
0xc2: {  	_ =	sfence.sel $0xFFFF  }
0xc3: {  	[dreg:$0x0] =	wrdreg $0xFFFFFFFF;
	(pc) =	sbr.abs _section_cstart, $3  }
0xc4: {  	[dreg:$0x1] =	wrdreg $0xFFFFFFFF  }
0xc5: {  	_ =	task.clear_ibuf [dreg:s9], $0x2FFFF;
	_ =	strace $0x9FFFFFFF  }
0xc6: {  	(tm) =	ssettm $0x7FFFFFFF  }
0xc7: {  	_ =	shalt  }
tec
execute0_lowered:
.L_overlay_start_1:
0x0: {  	(tag) =	ssettag $0x1  }
0x1: {  	s0 =	rddreg [dreg:$0x0]  }
0x2: {  	s1 =	rddreg [dreg:$0x1]  }
0x3: {  	s3 =	rddreg [dreg:$0x2]  }
0x4: {  	s2 =	rddreg [dreg:$0x3];
	s4 =	simm.s32 $0x0  }
0x5: {  	[smem:$0x7FF] =	sst s4;
	s14 =	sadd.s32 $0x10, s1  }
0x6: {  	s15 =	sadd.s32 $0x1E10, s0;
	_ =	strace $0x80000047;
	[dreg:$0x7] =	wrdreg s14  }
0x7: {  	s16 =	sadd.s32 $0x1E20, s0;
	[dreg:$0x8] =	wrdreg s15  }
0x8: {  	s17 =	sadd.s32 $0x1E30, s0;
	[dreg:$0x9] =	wrdreg s16  }
0x9: {  	s18 =	sadd.s32 $0x2610, s0;
	[dreg:$0xa] =	wrdreg s17  }
0xa: {  	s19 =	sadd.s32 $0x2620, s0;
	[dreg:$0xb] =	wrdreg s18  }
0xb: {  	s5 =	srdreg.scid;
	s20 =	sadd.s32 $0x2630, s0;
	[dreg:$0xc] =	wrdreg s19  }
0xc: {  	s7 =	stileid.u32;
	s21 =	sadd.s32 $0x2E10, s0;
	[dreg:$0xd] =	wrdreg s20  }
0xd: {  	s6 =	sand.u32 $0x1, s5;
	s22 =	sadd.s32 $0x2E20, s0;
	[dreg:$0xe] =	wrdreg s21  }
0xe: {  	s30 =	sshll.u32 s7, $0x1;
	s23 =	sadd.s32 $0x2E30, s0;
	[dreg:$0xf] =	wrdreg s22  }
0xf: {  	s7 =	sadd.s32 $0x2E00, s0;
	s24 =	sadd.s32 $0x3610, s0;
	[dreg:$0x10] =	wrdreg s23  }
0x10: {  	s8 =	sadd.s32 $0x3600, s0;
	s25 =	sadd.s32 $0x3620, s0;
	[dreg:$0x11] =	wrdreg s24  }
0x11: {  	s26 =	sadd.s32 $0x20, s1;
	s28 =	sadd.s32 $0x30, s1;
	[dreg:$0x12] =	wrdreg s25  }
0x12: {  	s29 =	sadd.s32 $0x10, s3;
	s9 =	sor.u32 s6, s30;
	[dreg:$0x14] =	wrdreg s26  }
0x13: {  	s11 =	ssub.s32 $0x2, s6;
	s6 =	sadd.s32 $0x2600, s0;
	[dreg:$0x15] =	wrdreg s28  }
0x14: {  	[dreg:$0x16] =	wrdreg s29;
	s30 =	sadd.s32 $0x20, s3;
	s5 =	sshll.u32 s9, $0xD  }
0x15: {  	s12 =	sshrl.u32 s11, $0x1;
	s9 =	sshll.u32 s9, $0x11;
	[dreg:$0x17] =	wrdreg s30  }
0x16: {  	s10 =	sadd.s32 s5, s0;
	s5 =	sadd.s32 $0x1E00, s0;
	s12 =	ssub.s32 s11, s12  }
0x17: {  	s11 =	sadd.s32 s2, s9;
	s0 =	sadd.s32 $0x3630, s0;
	s2 =	simm.s32 $0x2  }
0x18: {  	s9 =	simm.s32 $0x1000;
	s31 =	sadd.s32 $0x3E00, s10;
	[dreg:$0x13] =	wrdreg s0  }
0x19: {  	s10 =	sadd.s32 $0x4E00, s10;
	s13 =	smax.u32 s12, $0x1;
	[dreg:$0x5] =	wrdreg s31  }
0x1a: {  	s0 =	simm.s32 $0x1;
	[dreg:$0x6] =	wrdreg s13;
	s31 =	sadd.s32 $0x30, s3  }
0x1b: {  	s12 =	simm.s32 $0x20000;
	s13 =	simm.s32 $0x0;
	[dreg:$0x18] =	wrdreg s31  }
.LBB2_1:
0x1c: {  	s14 =	simm.s32 $0x10000  }
0x1d: {  	[tilespmem:s14], [sflag:$0x1] =	stream.linear.gather [hbm4b:s1+s4], $0x80, $0x38;
	[tilespmem:$0x1D800] =	vst v63  }
0x1e: {  	s21 =	rddreg [dreg:$0x7];
	s15 =	simm.s32 $0x10100  }
0x1f: {  	[tilespmem:s15], [sflag:$0x1] =	stream.linear.gather [hbm4b:s21+s4], $0x80, $0x38;
	[tilespmem:$0x1D800] =	vst v63  }
0x20: {  	s22 =	rddreg [dreg:$0x14];
	s23 =	simm.s32 $0x10200  }
0x21: {  	[tilespmem:s23], [sflag:$0x1] =	stream.linear.gather [hbm4b:s22+s4], $0x80, $0x38;
	[tilespmem:$0x1D800] =	vst v63  }
0x22: {  	s24 =	rddreg [dreg:$0x15];
	s25 =	simm.s32 $0x10300  }
0x23: {  	[tilespmem:s25], [sflag:$0x1] =	stream.linear.gather [hbm4b:s24+s4], $0x80, $0x38;
	[tilespmem:$0x1D800] =	vst v63  }
0x24: {  	s26 =	simm.s32 $0x10400  }
0x25: {  	[tilespmem:s26], [sflag:$0x1] =	stream.linear.gather [hbm4b:s3+s4], $0x80, $0x38;
	[tilespmem:$0x1D800] =	vst v63  }
0x26: {  	s28 =	rddreg [dreg:$0x16];
	s29 =	simm.s32 $0x10500  }
0x27: {  	[tilespmem:s29], [sflag:$0x1] =	stream.linear.gather [hbm4b:s28+s4], $0x80, $0x38;
	[tilespmem:$0x1D800] =	vst v63  }
0x28: {  	s30 =	rddreg [dreg:$0x17];
	s31 =	simm.s32 $0x10600  }
0x29: {  	[tilespmem:s31], [sflag:$0x1] =	stream.linear.gather [hbm4b:s30+s4], $0x80, $0x38;
	[tilespmem:$0x1D800] =	vst v63  }
0x2a: {  	s16 =	simm.s32 $0x10700;
	s15 =	rddreg [dreg:$0x18]  }
0x2b: {  	[tilespmem:s16], [sflag:$0x1] =	stream.linear.gather [hbm4b:s15+s4], $0x80, $0x38;
	[tilespmem:$0x1D800] =	vst v63  }
0x2c: {  	s17 =	simm.s32 $0x10800  }
0x2d: {  	[tilespmem:s17], [sflag:$0x1] =	stream.linear.gather [hbm4b:s5+s4], $0x80, $0x38;
	[tilespmem:$0x1D800] =	vst v63  }
0x2e: {  	s18 =	rddreg [dreg:$0x8];
	s19 =	simm.s32 $0x10900  }
0x2f: {  	[tilespmem:s19], [sflag:$0x1] =	stream.linear.gather [hbm4b:s18+s4], $0x80, $0x38;
	[tilespmem:$0x1D800] =	vst v63  }
0x30: {  	s20 =	rddreg [dreg:$0x9];
	s21 =	simm.s32 $0x10A00  }
0x31: {  	[tilespmem:s21], [sflag:$0x1] =	stream.linear.gather [hbm4b:s20+s4], $0x80, $0x38;
	[tilespmem:$0x1D800] =	vst v63  }
0x32: {  	s22 =	rddreg [dreg:$0xa];
	s23 =	simm.s32 $0x10B00  }
0x33: {  	[tilespmem:s23], [sflag:$0x1] =	stream.linear.gather [hbm4b:s22+s4], $0x80, $0x38;
	[tilespmem:$0x1D800] =	vst v63  }
0x34: {  	s24 =	simm.s32 $0x10C00  }
0x35: {  	[tilespmem:s24], [sflag:$0x1] =	stream.linear.gather [hbm4b:s6+s4], $0x80, $0x38;
	[tilespmem:$0x1D800] =	vst v63  }
0x36: {  	s25 =	rddreg [dreg:$0xb];
	s26 =	simm.s32 $0x10D00  }
0x37: {  	[tilespmem:s26], [sflag:$0x1] =	stream.linear.gather [hbm4b:s25+s4], $0x80, $0x38;
	[tilespmem:$0x1D800] =	vst v63  }
0x38: {  	s28 =	rddreg [dreg:$0xc];
	s29 =	simm.s32 $0x10E00  }
0x39: {  	[tilespmem:s29], [sflag:$0x1] =	stream.linear.gather [hbm4b:s28+s4], $0x80, $0x38;
	[tilespmem:$0x1D800] =	vst v63  }
0x3a: {  	s30 =	rddreg [dreg:$0xd];
	s31 =	simm.s32 $0x10F00  }
0x3b: {  	[tilespmem:s31], [sflag:$0x1] =	stream.linear.gather [hbm4b:s30+s4], $0x80, $0x38;
	[tilespmem:$0x1D800] =	vst v63  }
0x3c: {  	s16 =	simm.s32 $0x11000  }
0x3d: {  	[tilespmem:s16], [sflag:$0x1] =	stream.linear.gather [hbm4b:s7+s4], $0x80, $0x38;
	[tilespmem:$0x1D800] =	vst v63  }
0x3e: {  	s17 =	rddreg [dreg:$0xe];
	s18 =	simm.s32 $0x11100  }
0x3f: {  	[tilespmem:s18], [sflag:$0x1] =	stream.linear.gather [hbm4b:s17+s4], $0x80, $0x38;
	[tilespmem:$0x1D800] =	vst v63  }
0x40: {  	s19 =	rddreg [dreg:$0xf];
	s20 =	simm.s32 $0x11200  }
0x41: {  	[tilespmem:s20], [sflag:$0x1] =	stream.linear.gather [hbm4b:s19+s4], $0x80, $0x38;
	[tilespmem:$0x1D800] =	vst v63  }
0x42: {  	s21 =	rddreg [dreg:$0x10];
	s22 =	simm.s32 $0x11300  }
0x43: {  	[tilespmem:s22], [sflag:$0x1] =	stream.linear.gather [hbm4b:s21+s4], $0x80, $0x38;
	[tilespmem:$0x1D800] =	vst v63  }
0x44: {  	s23 =	simm.s32 $0x11400  }
0x45: {  	[tilespmem:s23], [sflag:$0x1] =	stream.linear.gather [hbm4b:s8+s4], $0x80, $0x38;
	[tilespmem:$0x1D800] =	vst v63  }
0x46: {  	s24 =	rddreg [dreg:$0x11];
	s25 =	simm.s32 $0x11500  }
0x47: {  	[tilespmem:s25], [sflag:$0x1] =	stream.linear.gather [hbm4b:s24+s4], $0x80, $0x38;
	[tilespmem:$0x1D800] =	vst v63  }
0x48: {  	s26 =	rddreg [dreg:$0x12];
	s28 =	simm.s32 $0x11600  }
0x49: {  	[tilespmem:s28], [sflag:$0x1] =	stream.linear.gather [hbm4b:s26+s4], $0x80, $0x38;
	[tilespmem:$0x1D800] =	vst v63  }
0x4a: {  	s29 =	rddreg [dreg:$0x13];
	s30 =	simm.s32 $0x11700  }
0x4b: {  	[tilespmem:s30], [sflag:$0x1] =	stream.linear.gather [hbm4b:s29+s4], $0x80, $0x38;
	[tilespmem:$0x1D800] =	vst v63  }
0x4c: {  	s14 =	simm.s32 $0x11A00;
	s31 =	rddreg [dreg:$0x5];
	s18 =	simm.s32 $0x0  }
0x4d: {  	[tilespmem:s4], [sflag:$0x3] =	stream.linear.gather [hbm4b:s31+s4], $0x8000, $0x38;
	[tilespmem:$0x1D800] =	vst v63  }
.LBB2_2:
0x4e: {  	s15 =	sand.u32 $0x1F, s18  }
0x4f: {  	p0 =	sne.s32 s15, $0x0  }
0x50: {  	s16 =	simm.s32 @!p0 $0x3  }
0x51: {  	_ =	swait.ge @!p0 [sflag:s16], $0x8000  }
0x52: {  	p1 =	sne.s32 s18, $0x1F;
	[sflag:s16] =	ssyncset.done @!p0 $0x0  }
0x53: {  	s17 =	simm.s32 @!p1 $0x8000;
	[sflag:s16] =	ssyncadd.s32 @!p0 $0xFFFF8000;
	s16 =	simm.s32 @!p1 $0x0  }
0x54: {  	[tilespmem:s17], [sflag:$0x3] =	stream.linear.gather @!p1 [hbm4b:s10+s16], $0x8000, $0x38;
	[tilespmem:$0x1D800] =	vst v63  }
0x55: {  	_ =	swait.ge [sflag:s0], $0x200  }
0x56: {  	[sflag:s0] =	ssyncset.done $0x0  }
0x57: {  	[sflag:s0] =	ssyncadd.s32 $0xFFFFFE00  }
0x58: {  	_ =	swait.ge [sflag:s0], $0x200  }
0x59: {  	[sflag:s0] =	ssyncset.done $0x0  }
0x5a: {  	[sflag:s0] =	ssyncadd.s32 $0xFFFFFE00  }
0x5b: {  	_ =	swait.ge [sflag:s0], $0x200  }
0x5c: {  	[sflag:s0] =	ssyncset.done $0x0  }
0x5d: {  	[sflag:s0] =	ssyncadd.s32 $0xFFFFFE00  }
0x5e: {  	_ =	swait.ge [sflag:s0], $0x200  }
0x5f: {  	[sflag:s0] =	ssyncset.done $0x0  }
0x60: {  	[sflag:s0] =	ssyncadd.s32 $0xFFFFFE00  }
0x61: {  	p0 =	seq.s32 s18, $0x3F;
	_ =	swait.ge [sflag:s0], $0x200  }
0x62: {  	s17 =	sshll.u32 @!p0 s18, $0x7;
	[sflag:s0] =	ssyncset.done $0x0  }
0x63: {  	s16 =	sadd.s32 $0x1, s18;
	s17 =	sand.u32 @!p0 $0x80, s17;
	[sflag:s0] =	ssyncadd.s32 $0xFFFFFE00  }
0x64: {  	s20 =	sshll.u32 @!p0 s16, $0x6;
	s19 =	sxor.u32 @!p0 $0x80, s17;
	_ =	swait.ge [sflag:s0], $0x200  }
0x65: {  	s21 =	sand.u32 @!p0 $0x7C0, s20;
	s20 =	simm.s32 @!p0 $0x0;
	[sflag:s0] =	ssyncset.done $0x0  }
0x66: {  	s22 =	sor.u32 @!p0 $0x10000, s19;
	s23 =	sadd.s32 @!p0 s1, s21;
	[sflag:s0] =	ssyncadd.s32 $0xFFFFFE00  }
0x67: {  	[tilespmem:s22], [sflag:$0x1] =	stream.linear.gather @!p0 [hbm4b:s23+s20], $0x80, $0x38;
	[tilespmem:$0x1D800] =	vst v63  }
0x68: {  	s24 =	sor.u32 @!p0 $0x10100, s19;
	s22 =	sadd.s32 @!p0 $0x10, s23  }
0x69: {  	[tilespmem:s24], [sflag:$0x1] =	stream.linear.gather @!p0 [hbm4b:s22+s20], $0x80, $0x38;
	[tilespmem:$0x1D800] =	vst v63  }
0x6a: {  	s22 =	sadd.s32 @!p0 $0x20, s23;
	s24 =	sor.u32 @!p0 $0x10200, s19  }
0x6b: {  	[tilespmem:s24], [sflag:$0x1] =	stream.linear.gather @!p0 [hbm4b:s22+s20], $0x80, $0x38;
	[tilespmem:$0x1D800] =	vst v63  }
0x6c: {  	s22 =	sadd.s32 @!p0 $0x30, s23;
	s23 =	sor.u32 @!p0 $0x10300, s19  }
0x6d: {  	[tilespmem:s23], [sflag:$0x1] =	stream.linear.gather @!p0 [hbm4b:s22+s20], $0x80, $0x38;
	[tilespmem:$0x1D800] =	vst v63  }
0x6e: {  	s22 =	sor.u32 @!p0 $0x10400, s19;
	s23 =	sadd.s32 @!p0 s3, s21  }
0x6f: {  	[tilespmem:s22], [sflag:$0x1] =	stream.linear.gather @!p0 [hbm4b:s23+s20], $0x80, $0x38;
	[tilespmem:$0x1D800] =	vst v63  }
0x70: {  	s24 =	sor.u32 @!p0 $0x10500, s19;
	s22 =	sadd.s32 @!p0 $0x10, s23  }
0x71: {  	[tilespmem:s24], [sflag:$0x1] =	stream.linear.gather @!p0 [hbm4b:s22+s20], $0x80, $0x38;
	[tilespmem:$0x1D800] =	vst v63  }
0x72: {  	s22 =	sadd.s32 @!p0 $0x20, s23;
	s24 =	sor.u32 @!p0 $0x10600, s19  }
0x73: {  	[tilespmem:s24], [sflag:$0x1] =	stream.linear.gather @!p0 [hbm4b:s22+s20], $0x80, $0x38;
	[tilespmem:$0x1D800] =	vst v63  }
0x74: {  	s22 =	sadd.s32 @!p0 $0x30, s23;
	s23 =	sor.u32 @!p0 $0x10700, s19  }
0x75: {  	[tilespmem:s23], [sflag:$0x1] =	stream.linear.gather @!p0 [hbm4b:s22+s20], $0x80, $0x38;
	[tilespmem:$0x1D800] =	vst v63  }
0x76: {  	s22 =	sor.u32 @!p0 $0x10800, s19;
	s23 =	sadd.s32 @!p0 s5, s21  }
0x77: {  	[tilespmem:s22], [sflag:$0x1] =	stream.linear.gather @!p0 [hbm4b:s23+s20], $0x80, $0x38;
	[tilespmem:$0x1D800] =	vst v63  }
0x78: {  	s24 =	sor.u32 @!p0 $0x10900, s19;
	s22 =	sadd.s32 @!p0 $0x10, s23  }
0x79: {  	[tilespmem:s24], [sflag:$0x1] =	stream.linear.gather @!p0 [hbm4b:s22+s20], $0x80, $0x38;
	[tilespmem:$0x1D800] =	vst v63  }
0x7a: {  	s22 =	sadd.s32 @!p0 $0x20, s23;
	s24 =	sor.u32 @!p0 $0x10A00, s19  }
0x7b: {  	[tilespmem:s24], [sflag:$0x1] =	stream.linear.gather @!p0 [hbm4b:s22+s20], $0x80, $0x38;
	[tilespmem:$0x1D800] =	vst v63  }
0x7c: {  	s22 =	sadd.s32 @!p0 $0x30, s23;
	s23 =	sor.u32 @!p0 $0x10B00, s19  }
0x7d: {  	[tilespmem:s23], [sflag:$0x1] =	stream.linear.gather @!p0 [hbm4b:s22+s20], $0x80, $0x38;
	[tilespmem:$0x1D800] =	vst v63  }
0x7e: {  	s22 =	sor.u32 @!p0 $0x10C00, s19;
	s23 =	sadd.s32 @!p0 s6, s21  }
0x7f: {  	[tilespmem:s22], [sflag:$0x1] =	stream.linear.gather @!p0 [hbm4b:s23+s20], $0x80, $0x38;
	[tilespmem:$0x1D800] =	vst v63  }
0x80: {  	s24 =	sor.u32 @!p0 $0x10D00, s19;
	s22 =	sadd.s32 @!p0 $0x10, s23  }
0x81: {  	[tilespmem:s24], [sflag:$0x1] =	stream.linear.gather @!p0 [hbm4b:s22+s20], $0x80, $0x38;
	[tilespmem:$0x1D800] =	vst v63  }
0x82: {  	s22 =	sadd.s32 @!p0 $0x20, s23;
	s24 =	sor.u32 @!p0 $0x10E00, s19  }
0x83: {  	[tilespmem:s24], [sflag:$0x1] =	stream.linear.gather @!p0 [hbm4b:s22+s20], $0x80, $0x38;
	[tilespmem:$0x1D800] =	vst v63  }
0x84: {  	s22 =	sadd.s32 @!p0 $0x30, s23;
	s23 =	sor.u32 @!p0 $0x10F00, s19  }
0x85: {  	[tilespmem:s23], [sflag:$0x1] =	stream.linear.gather @!p0 [hbm4b:s22+s20], $0x80, $0x38;
	[tilespmem:$0x1D800] =	vst v63  }
0x86: {  	s22 =	sor.u32 @!p0 $0x11000, s19;
	s23 =	sadd.s32 @!p0 s7, s21  }
0x87: {  	[tilespmem:s22], [sflag:$0x1] =	stream.linear.gather @!p0 [hbm4b:s23+s20], $0x80, $0x38;
	[tilespmem:$0x1D800] =	vst v63  }
0x88: {  	s24 =	sor.u32 @!p0 $0x11100, s19;
	s22 =	sadd.s32 @!p0 $0x10, s23  }
0x89: {  	[tilespmem:s24], [sflag:$0x1] =	stream.linear.gather @!p0 [hbm4b:s22+s20], $0x80, $0x38;
	[tilespmem:$0x1D800] =	vst v63  }
0x8a: {  	s22 =	sadd.s32 @!p0 $0x20, s23;
	s24 =	sor.u32 @!p0 $0x11200, s19  }
0x8b: {  	[tilespmem:s24], [sflag:$0x1] =	stream.linear.gather @!p0 [hbm4b:s22+s20], $0x80, $0x38;
	[tilespmem:$0x1D800] =	vst v63  }
0x8c: {  	s22 =	sadd.s32 @!p0 $0x30, s23;
	s23 =	sor.u32 @!p0 $0x11300, s19  }
0x8d: {  	[tilespmem:s23], [sflag:$0x1] =	stream.linear.gather @!p0 [hbm4b:s22+s20], $0x80, $0x38;
	[tilespmem:$0x1D800] =	vst v63  }
0x8e: {  	p1 =	slt.u32 @!p0 s18, $0x3;
	s21 =	sadd.s32 @!p0 s8, s21;
	s22 =	sor.u32 @!p0 $0x11400, s19  }
0x8f: {  	[tilespmem:s22], [sflag:$0x1] =	stream.linear.gather @!p0 [hbm4b:s21+s20], $0x80, $0x38;
	[tilespmem:$0x1D800] =	vst v63  }
0x90: {  	p1 =	por p0, !p1;
	s23 =	sor.u32 @!p0 $0x11500, s19;
	s22 =	sadd.s32 @!p0 $0x10, s21  }
0x91: {  	[tilespmem:s23], [sflag:$0x1] =	stream.linear.gather @!p0 [hbm4b:s22+s20], $0x80, $0x38;
	[tilespmem:$0x1D800] =	vst v63  }
.Ltmp0:
0x92: {  	_ = 	snop;
	(pc) =	sbr.rel @!p1 .LBB2_4-.Ltmp0, $4  }
0x93: {  	s22 =	sadd.s32 @!p0 $0x20, s21;
	s23 =	sor.u32 @!p0 $0x11600, s19  }
0x94: {  	[tilespmem:s23], [sflag:$0x1] =	stream.linear.gather @!p0 [hbm4b:s22+s20], $0x80, $0x38;
	[tilespmem:$0x1D800] =	vst v63  }
0x95: {  	s21 =	sadd.s32 @!p0 $0x30, s21;
	s19 =	sor.u32 @!p0 $0x11700, s19  }
0x96: {  	[tilespmem:s19], [sflag:$0x1] =	stream.linear.gather @!p0 [hbm4b:s21+s20], $0x80, $0x38;
	[tilespmem:$0x1D800] =	vst v63  }
0x97: {  	_ =	swait.ge [sflag:s2], $0x4000  }
0x98: {  	[sflag:s2] =	ssyncset.done $0x0  }
0x99: {  	s17 =	simm.s32 @p0 $0x80;
	[sflag:s2] =	ssyncadd.s32 $0xFFFFC000  }
.LBB2_4:
0x9a: {  	s19 =	smul.u32 $0xAB, s18;
	_ =	sdelay $0x1  }
0x9b: {  	s19 =	sshrl.u32 s19, $0x9  }
0x9c: {  	s20 =	smulhi.u32 $0xAAAAAAAB, s18;
	s19 =	sand.u32 $0x7F, s19  }
0x9d: {  	s19 =	smul.u32 $0x3, s19  }
0x9e: {  	s21 =	sshll.u32 s18, $0xA;
	s20 =	sshrl.u32 s20, $0x1  }
0x9f: {  	s22 =	simm.s32 $0x0;
	s20 =	smul.u32 $0xFFFD0000, s20;
	s19 =	ssub.s32 s18, s19  }
0xa0: {  	s23 =	simm.s32 $0x0;
	s21 =	sand.u32 $0x3FFF8000, s21;
	s19 =	sand.u32 $0xFF, s19  }
0xa1: {  	s29 =	sor.u32 $0x1C00, s21;
	s20 =	sshra.s32 s20, $0x2;
	s19 =	sshll.u32 s19, $0xE  }
0xa2: {  	s18 =	sshrl.u32 s18, $0x5;
	s21 =	sadd.s32 s20, s14;
	s19 =	sadd.s32 $0x11800, s19  }
.LBB2_5:
0xa3: {  	s20 =	sshrl.u32 s23, $0x2  }
0xa4: {  	s24 =	sshll.u32 s23, $0x5;
	s25 =	sshll.u32 s20, $0x8  }
0xa5: {  	s24 =	sand.u32 $0x60, s24;
	s25 =	sor.u32 s17, s25  }
0xa6: {  	s24 =	sor.u32 s24, s25  }
0xa7: {  	v9 =	vld [tilespmem:s24+$0x10000]  }
0xa8: {  	v10 =	vld [tilespmem:s24+$0x10400]  }
0xa9: {  	v7 =	vld [tilespmem:s24+$0x10800]  }
0xaa: {  	v11 =	vld [tilespmem:s24+$0x10C00]  }
0xab: {  	v8 =	vld [tilespmem:s24+$0x11000]  }
0xac: {  	v6 =	vld [tilespmem:s24+$0x11400];
	s24 =	sor.u32 $0x10, s24  }
0xad: {  	v4 =	vld [tilespmem:s24+$0x10000]  }
0xae: {  	v5 =	vld [tilespmem:s24+$0x10400]  }
0xaf: {  	v1 =	vld [tilespmem:s24+$0x10800]  }
0xb0: {  	v3 =	vld [tilespmem:s24+$0x10C00]  }
0xb1: {  	v2 =	vld [tilespmem:s24+$0x11000]  }
0xb2: {  	v0 =	vld [tilespmem:s24+$0x11400]  }
0xb3: {  	v12 =	vld.idx.msk [tilespmem:v9+s29+$0xFFFFFC00], $0xffff  }
0xb4: {  	v13 =	vld.idx.msk [tilespmem:v10+s29+$0xFFFFF000], $0xffff  }
0xb5: {  	v14 =	vld.idx.msk [tilespmem:v9+s29+$0xFFFFF000], $0xffff  }
0xb6: {  	v15 =	vld.idx.msk [tilespmem:v10+s29+$0xFFFFFC00], $0xffff  }
0xb7: {  	v16 =	vld.idx.msk [tilespmem:v9+s29+$0xFFFFE800], $0xffff  }
0xb8: {  	v17 =	vld.idx.msk [tilespmem:v10+s29+$0xFFFFE400], $0xffff  }
0xb9: {  	v18 =	vld.idx.msk [tilespmem:v9+s29+$0xFFFFE400], $0xffff  }
0xba: {  	v19 =	vld.idx.msk [tilespmem:v10+s29+$0xFFFFEC00], $0xffff  }
0xbb: {  	v20 =	vld.idx.msk [tilespmem:v9+s29+$0x0], $0xffff  }
0xbc: {  	v21 =	vld.idx.msk [tilespmem:v9+s29+$0xFFFFF400], $0xffff  }
0xbd: {  	v22 =	vld.idx.msk [tilespmem:v10+s29+$0xFFFFE800], $0xffff  }
0xbe: {  	v23 =	vld.idx.msk [tilespmem:v10+s29+$0xFFFFF400], $0xffff  }
0xbf: {  	v24 =	vld.idx.msk [tilespmem:v10+s29+$0xFFFFF800], $0xffff  }
0xc0: {  	s25 =	sadd.s32 $0x2000, s29;
	v27 =	vld.idx.msk [tilespmem:v9+s29+$0xFFFFEC00], $0xffff  }
0xc1: {  	v28 =	vld.idx.msk [tilespmem:v9+s25+$0xFFFFE800], $0xffff;
	v13 =	vmul.f32 v13, v11  }
0xc2: {  	v29 =	vld.idx.msk [tilespmem:v9+s25+$0xFFFFF000], $0xffff;
	v14 =	vadd.f32 v14, v7;
	v15 =	vmul.f32 v15, v11  }
0xc3: {  	v31 =	vld.idx.msk [tilespmem:v10+s25+$0xFFFFFC00], $0xffff;
	v12 =	vadd.f32 v12, v7;
	v22 =	vmul.f32 v22, v11;
	v13 =	vadd.f32 v13, v8  }
0xc4: {  	s26 =	sand.u32 $0x3, s22;
	v32 =	vld.idx.msk [tilespmem:v9+s25+$0xFFFFE400], $0xffff;
	v16 =	vadd.f32 v16, v7;
	v15 =	vadd.f32 v15, v8  }
0xc5: {  	s20 =	sshll.u32 s20, $0xC;
	s24 =	sshll.u32 s26, $0x7;
	v33 =	vld.idx.msk [tilespmem:v10+s25+$0xFFFFEC00], $0xffff;
	v17 =	vmul.f32 v17, v11;
	v22 =	vadd.f32 v22, v8;
	v13 =	vmul.f32 v13, v14  }
0xc6: {  	s20 =	sor.u32 s24, s20;
	v18 =	vadd.f32 v18, v7;
	v14 =	vld.idx.msk [tilespmem:v9+s29+$0xFFFFF800], $0xffff;
	v12 =	vmul.f32 v15, v12  }
0xc7: {  	s20 =	sshrl.u32 s20, $0x2;
	v17 =	vadd.f32 v17, v8;
	v15 =	vld.idx.msk [tilespmem:v10+s29+$0x0], $0xffff;
	v16 =	vmul.f32 v22, v16;
	v13 =	vadd.f32 v13, v6  }
0xc8: {  	s24 =	sadd.s32 s20, s21;
	v22 =	vld.idx.msk [tilespmem:v9+s25+$0xFFFFFC00], $0xffff;
	v12 =	vadd.f32 v12, v6  }
0xc9: {  	v17 =	vmul.f32 v17, v18;
	v18 =	vld.idx.msk [tilespmem:v10+s25+$0xFFFFF000], $0xffff;
	v16 =	vadd.f32 v16, v6;
	[tilespmem:s24+$0xFFFFFF80] =	vst v13  }
0xca: {  	v21 =	vadd.f32 v21, v7;
	[tilespmem:s24+$0x100] =	vst v12;
	v12 =	vmul.f32 v23, v11;
	v13 =	vld.idx.msk [tilespmem:v5+s29+$0xFFFFF000], $0xffff  }
0xcb: {  	v17 =	vadd.f32 v17, v6;
	[tilespmem:s24+$0xFFFFFE80] =	vst v16;
	v16 =	vmul.f32 v24, v11;
	v25 =	vld.idx.msk [tilespmem:v4+s29+$0xFFFFF000], $0xffff  }
0xcc: {  	v19 =	vmul.f32 v19, v11;
	v23 =	vld.idx.msk [tilespmem:v5+s29+$0xFFFFFC00], $0xffff;
	v15 =	vmul.f32 v15, v11;
	v12 =	vadd.f32 v12, v8  }
0xcd: {  	[tilespmem:s24+$0xFFFFFE00] =	vst v17;
	v26 =	vld.idx.msk [tilespmem:v4+s29+$0xFFFFFC00], $0xffff;
	v14 =	vadd.f32 v14, v7;
	v16 =	vadd.f32 v16, v8  }
0xce: {  	v17 =	vadd.f32 v20, v7;
	v24 =	vld.idx.msk [tilespmem:v4+s29+$0xFFFFE800], $0xffff;
	v15 =	vadd.f32 v15, v8;
	v12 =	vmul.f32 v12, v21  }
0xcf: {  	v20 =	vld.idx.msk [tilespmem:v4+s29+$0xFFFFE400], $0xffff;
	v18 =	vmul.f32 v18, v11;
	v14 =	vmul.f32 v16, v14;
	v16 =	vadd.f32 v19, v8  }
0xd0: {  	v30 =	vld.idx.msk [tilespmem:v5+s29+$0xFFFFE400], $0xffff;
	v19 =	vadd.f32 v27, v7;
	v15 =	vmul.f32 v15, v17;
	v12 =	vadd.f32 v12, v6  }
0xd1: {  	v21 =	vld.idx.msk [tilespmem:v10+s25+$0xFFFFE400], $0xffff;
	v13 =	vmul.f32 v13, v3;
	v23 =	vmul.f32 v23, v3;
	v25 =	vadd.f32 v25, v1  }
0xd2: {  	v14 =	vadd.f32 v14, v6;
	v17 =	vmul.f32 v16, v19;
	v19 =	vadd.f32 v26, v1;
	v16 =	vld.idx.msk [tilespmem:v9+s25+$0xFFFFF400], $0xffff  }
0xd3: {  	v26 =	vld.idx.msk [tilespmem:v10+s25+$0xFFFFE800], $0xffff;
	[tilespmem:s24+$0x0] =	vst v12;
	v13 =	vadd.f32 v13, v2;
	v23 =	vadd.f32 v23, v2  }
0xd4: {  	[tilespmem:s24+$0x80] =	vst v14;
	v14 =	vadd.f32 v18, v8;
	v18 =	vadd.f32 v29, v7;
	v29 =	vld.idx.msk [tilespmem:v9+s25+$0xFFFFF800], $0xffff  }
0xd5: {  	v12 =	vld.idx.msk [tilespmem:v4+s29+$0xFFFFF400], $0xffff;
	v13 =	vmul.f32 v13, v25;
	v19 =	vmul.f32 v23, v19  }
0xd6: {  	v17 =	vadd.f32 v17, v6;
	v25 =	vld.idx.msk [tilespmem:v9+s25+$0x0], $0xffff;
	v14 =	vmul.f32 v14, v18;
	v18 =	vmul.f32 v31, v11  }
0xd7: {  	v22 =	vadd.f32 v22, v7;
	v15 =	vadd.f32 v15, v6;
	v23 =	vld.idx.msk [tilespmem:v10+s25+$0x0], $0xffff  }
0xd8: {  	[tilespmem:s24+$0xFFFFFF00] =	vst v17;
	v31 =	vld.idx.msk [tilespmem:v5+s29+$0xFFFFE800], $0xffff;
	v17 =	vadd.f32 v19, v0;
	v18 =	vadd.f32 v18, v8  }
0xd9: {  	v24 =	vadd.f32 v24, v1;
	[tilespmem:s24+$0x180] =	vst v15;
	v13 =	vadd.f32 v13, v0;
	v19 =	vld.idx.msk [tilespmem:v10+s25+$0xFFFFF800], $0xffff  }
0xda: {  	v27 =	vadd.f32 v14, v6;
	[tilespmem:s24+$0x110] =	vst v17;
	v17 =	vmul.f32 v18, v22;
	v18 =	vld.idx.msk [tilespmem:v4+s29+$0xFFFFEC00], $0xffff  }
0xdb: {  	s28 =	sadd.s32 $0x1000, s24;
	[tilespmem:s24+$0xFFFFFF90] =	vst v13;
	v13 =	vadd.f32 v20, v1;
	v20 =	vadd.f32 v28, v7;
	v28 =	vld.idx.msk [tilespmem:v5+s29+$0xFFFFEC00], $0xffff  }
0xdc: {  	[tilespmem:s28+$0xFFFFFF80] =	vst v27;
	v22 =	vmul.f32 v26, v11;
	v15 =	vadd.f32 v25, v7;
	v25 =	vld.idx.msk [tilespmem:v10+s25+$0xFFFFF400], $0xffff  }
0xdd: {  	v21 =	vmul.f32 v21, v11;
	v14 =	vmul.f32 v30, v3;
	v34 =	vld.idx.msk [tilespmem:v5+s25+$0xFFFFF000], $0xffff;
	v17 =	vadd.f32 v17, v6  }
0xde: {  	v23 =	vmul.f32 v23, v11;
	v36 =	vld.idx.msk [tilespmem:v4+s25+$0xFFFFF000], $0xffff;
	v63 =	vmul.f32 v31, v3;
	v27 =	vadd.f32 v22, v8  }
0xdf: {  	v31 =	vadd.f32 v21, v8;
	v22 =	vld.idx.msk [tilespmem:v5+s29+$0x0], $0xffff;
	v19 =	vmul.f32 v19, v11;
	[tilespmem:s28+$0x100] =	vst v17  }
0xe0: {  	v17 =	vadd.f32 v32, v7;
	v27 =	vmul.f32 v27, v20;
	v20 =	vadd.f32 v23, v8;
	v23 =	vld.idx.msk [tilespmem:v5+s29+$0xFFFFF800], $0xffff  }
0xe1: {  	v12 =	vadd.f32 v12, v1;
	v21 =	vmul.f32 v33, v11;
	v33 =	vadd.f32 v29, v7;
	v26 =	vld.idx.msk [tilespmem:v5+s25+$0xFFFFFC00], $0xffff  }
0xe2: {  	v30 =	vadd.f32 v19, v8;
	v19 =	vld.idx.msk [tilespmem:v5+s29+$0xFFFFF400], $0xffff;
	v25 =	vmul.f32 v25, v11;
	v37 =	vmul.f32 v31, v17  }
0xe3: {  	s30 =	simm.s32 $0x8;
	v35 =	vadd.f32 v63, v2;
	v34 =	vmul.f32 v34, v3;
	v17 =	vld.idx.msk [tilespmem:v4+s25+$0xFFFFFC00], $0xffff;
	v29 =	vadd.f32 v36, v1  }
0xe4: {  	s31 =	sadd.s32 $0x2000, s25;
	s20 =	smov.u32 s29;
	s26 =	smov.u32 s28;
	v28 =	vmul.f32 v28, v3;
	v31 =	vadd.f32 v25, v8;
	v32 =	vadd.f32 v37, v6;
	v25 =	vld.idx.msk [tilespmem:v9+s25+$0xFFFFEC00], $0xffff  }
.LBB2_6:
0xe5: {  	v36 =	vld.idx.msk [tilespmem:v9+s31+$0xFFFFFC00], $0xffff;
	s30 =	sadd.s32 $0x8, s30;
	v34 =	vadd.f32 v34, v2;
	v16 =	vadd.f32 v16, v7;
	s28 =	sadd.s32 $0x1000, s28;
	v24 =	vmul.f32 v35, v24  }
0xe6: {  	v30 =	vmul.f32 v30, v33;
	v26 =	vmul.f32 v26, v3;
	v18 =	vadd.f32 v18, v1;
	p0 =	slt.u32 s30, $0x18;
	v33 =	vld.idx.msk [tilespmem:v4+s20+$0x0], $0xffff  }
0xe7: {  	v27 =	vadd.f32 v27, v6;
	v22 =	vmul.f32 v22, v3;
	v35 =	vld.idx.msk [tilespmem:v9+s31+$0xFFFFE800], $0xffff;
	v16 =	vmul.f32 v31, v16  }
0xe8: {  	v26 =	vadd.f32 v26, v2;
	v24 =	vadd.f32 v24, v0;
	v31 =	vld.idx.msk [tilespmem:v10+s31+$0xFFFFE400], $0xffff;
	[tilespmem:s26+$0xFFFFFE00] =	vst v32  }
0xe9: {  	v32 =	vld.idx.msk [tilespmem:v10+s31+$0xFFFFF000], $0xffff;
	[tilespmem:s26+$0xFFFFFE80] =	vst v27;
	v27 =	vmul.f32 v34, v29;
	v16 =	vadd.f32 v16, v6  }
0xea: {  	v23 =	vmul.f32 v23, v3;
	[tilespmem:s24+$0xFFFFFE90] =	vst v24;
	v24 =	vadd.f32 v28, v2;
	v28 =	vld.idx.msk [tilespmem:v4+s20+$0xFFFFF800], $0xffff;
	s20 =	smov.u32 s25;
	s25 =	smov.u32 s31  }
0xeb: {  	v14 =	vadd.f32 v14, v2;
	v19 =	vmul.f32 v19, v3;
	v30 =	vadd.f32 v30, v6;
	v29 =	vld.idx.msk [tilespmem:v9+s31+$0xFFFFF000], $0xffff  }
0xec: {  	v15 =	vmul.f32 v20, v15;
	v34 =	vld.idx.msk [tilespmem:v4+s20+$0xFFFFE800], $0xffff;
	[tilespmem:s26+$0x0] =	vst v16;
	v16 =	vmul.f32 v24, v18  }
0xed: {  	v18 =	vadd.f32 v21, v8;
	v21 =	vadd.f32 v22, v2;
	v20 =	vld.idx.msk [tilespmem:v4+s20+$0xFFFFF400], $0xffff;
	[tilespmem:s26+$0x80] =	vst v30  }
0xee: {  	v13 =	vmul.f32 v14, v13;
	v14 =	vadd.f32 v23, v2;
	v24 =	vadd.f32 v25, v7;
	v22 =	vld.idx.msk [tilespmem:v4+s20+$0xFFFFE400], $0xffff  }
0xef: {  	v19 =	vadd.f32 v19, v2;
	v30 =	vadd.f32 v33, v1;
	v23 =	vmul.f32 v32, v11;
	v25 =	vld.idx.msk [tilespmem:v5+s20+$0xFFFFE400], $0xffff  }
0xf0: {  	v17 =	vadd.f32 v17, v1;
	v18 =	vmul.f32 v18, v24;
	v24 =	vadd.f32 v28, v1;
	v32 =	vld.idx.msk [tilespmem:v10+s31+$0xFFFFFC00], $0xffff  }
0xf1: {  	v12 =	vmul.f32 v19, v12;
	v19 =	vmul.f32 v21, v30;
	v23 =	vadd.f32 v23, v8;
	v28 =	vld.idx.msk [tilespmem:v9+s31+$0xFFFFE400], $0xffff  }
0xf2: {  	v17 =	vmul.f32 v26, v17;
	v26 =	vadd.f32 v16, v0;
	v18 =	vadd.f32 v18, v6;
	v21 =	vld.idx.msk [tilespmem:v10+s31+$0xFFFFEC00], $0xffff  }
0xf3: {  	v33 =	vadd.f32 v12, v0;
	v29 =	vadd.f32 v29, v7;
	v12 =	vmul.f32 v14, v24;
	v30 =	vld.idx.msk [tilespmem:v9+s31+$0x0], $0xffff  }
0xf4: {  	v24 =	vadd.f32 v36, v7;
	v14 =	vadd.f32 v27, v0;
	v16 =	vld.idx.msk [tilespmem:v9+s31+$0xFFFFF400], $0xffff;
	[tilespmem:s26+$0xFFFFFF00] =	vst v18  }
0xf5: {  	v15 =	vadd.f32 v15, v6;
	v17 =	vadd.f32 v17, v0;
	v18 =	vmul.f32 v23, v29;
	v29 =	vld.idx.msk [tilespmem:v9+s31+$0xFFFFF800], $0xffff  }
0xf6: {  	v23 =	vmul.f32 v32, v11;
	v32 =	vadd.f32 v13, v0;
	v27 =	vld.idx.msk [tilespmem:v10+s31+$0x0], $0xffff;
	[tilespmem:s26+$0xFFFFFF90] =	vst v14  }
0xf7: {  	v37 =	vadd.f32 v18, v6;
	v18 =	vadd.f32 v19, v0;
	v36 =	vld.idx.msk [tilespmem:v10+s31+$0xFFFFE800], $0xffff;
	[tilespmem:s26+$0x180] =	vst v15  }
0xf8: {  	v14 =	vmul.f32 v25, v3;
	v23 =	vadd.f32 v23, v8;
	v19 =	vld.idx.msk [tilespmem:v10+s31+$0xFFFFF800], $0xffff;
	[tilespmem:s24+$0xFFFFFF10] =	vst v26  }
0xf9: {  	v13 =	vadd.f32 v22, v1;
	v15 =	vadd.f32 v30, v7;
	v22 =	vld.idx.msk [tilespmem:v5+s20+$0xFFFFE800], $0xffff;
	[tilespmem:s26+$0x110] =	vst v17  }
0xfa: {  	v25 =	vadd.f32 v12, v0;
	v23 =	vmul.f32 v23, v24;
	v17 =	vld.idx.msk [tilespmem:v10+s31+$0xFFFFF400], $0xffff;
	[tilespmem:s24+$0x190] =	vst v18  }
0xfb: {  	v12 =	vadd.f32 v20, v1;
	v30 =	vadd.f32 v35, v7;
	v18 =	vld.idx.msk [tilespmem:v4+s20+$0xFFFFEC00], $0xffff;
	[tilespmem:s24+$0xFFFFFE10] =	vst v32  }
0xfc: {  	v20 =	vadd.f32 v23, v6;
	v23 =	vmul.f32 v27, v11;
	[tilespmem:s28+$0xFFFFFF80] =	vst v37;
	v37 =	vld.idx.msk [tilespmem:v5+s20+$0xFFFFEC00], $0xffff  }
0xfd: {  	v24 =	vadd.f32 v34, v1;
	v26 =	vmul.f32 v36, v11;
	v32 =	vld.idx.msk [tilespmem:v5+s31+$0xFFFFF000], $0xffff;
	[tilespmem:s24+$0x10] =	vst v33  }
0xfe: {  	v27 =	vmul.f32 v31, v11;
	v19 =	vmul.f32 v19, v11;
	v36 =	vld.idx.msk [tilespmem:v4+s31+$0xFFFFF000], $0xffff;
	[tilespmem:s28+$0x100] =	vst v20  }
0xff: {  	v20 =	vadd.f32 v28, v7;
	v28 =	vadd.f32 v26, v8;
	v35 =	vmul.f32 v22, v3;
	v22 =	vld.idx.msk [tilespmem:v5+s20+$0x0], $0xffff  }
.Ltmp1:
0x100: {  	v31 =	vadd.f32 v27, v8;
	v17 =	vmul.f32 v17, v11;
	v26 =	vld.idx.msk [tilespmem:v5+s31+$0xFFFFFC00], $0xffff;
	[tilespmem:s24+$0x90] =	vst v25;
	s24 =	smov.u32 s26;
	s26 =	smov.u32 s28;
	(pc) =	sbr.rel @p0 .LBB2_6-.Ltmp1, $4  }
0x101: {  	v21 =	vmul.f32 v21, v11;
	v27 =	vmul.f32 v28, v30;
	v30 =	vadd.f32 v19, v8;
	v19 =	vld.idx.msk [tilespmem:v5+s20+$0xFFFFF400], $0xffff  }
0x102: {  	v25 =	vmul.f32 v31, v20;
	v20 =	vadd.f32 v23, v8;
	v31 =	vadd.f32 v17, v8;
	v23 =	vld.idx.msk [tilespmem:v5+s20+$0xFFFFF800], $0xffff  }
0x103: {  	v33 =	vadd.f32 v29, v7;
	v35 =	vadd.f32 v35, v2;
	v34 =	vmul.f32 v32, v3;
	v17 =	vld.idx.msk [tilespmem:v4+s31+$0xFFFFFC00], $0xffff  }
0x104: {  	v28 =	vmul.f32 v37, v3;
	v32 =	vadd.f32 v25, v6;
	v29 =	vadd.f32 v36, v1;
	s31 =	sadd.s32 $0x2000, s31;
	v25 =	vld.idx.msk [tilespmem:v9+s25+$0xFFFFEC00], $0xffff  }
0x105: {  	_ =	sdelay $0x2  }
0x106: {  	v9 =	vadd.f32 v16, v7;
	v10 =	vadd.f32 v34, v2;
	v11 =	vmul.f32 v35, v24  }
0x107: {  	v57 =	vmul.f32 v30, v33;
	v18 =	vadd.f32 v18, v1;
	v58 =	vadd.f32 v27, v6;
	v59 =	vld.idx.msk [tilespmem:v4+s20+$0x0], $0xffff  }
0x108: {  	v26 =	vmul.f32 v26, v3;
	v8 =	vadd.f32 v21, v8;
	v61 =	vmul.f32 v22, v3;
	v63 =	vld.idx.msk [tilespmem:v4+s20+$0xFFFFF800], $0xffff  }
0x109: {  	v15 =	vmul.f32 v20, v15;
	v14 =	vadd.f32 v14, v2;
	[tilespmem:s26+$0xFFFFFE00] =	vst v32;
	v30 =	vadd.f32 v28, v2  }
0x10a: {  	v19 =	vmul.f32 v19, v3;
	v9 =	vmul.f32 v31, v9;
	v11 =	vadd.f32 v11, v0;
	[tilespmem:s26+$0xFFFFFE80] =	vst v58  }
0x10b: {  	v62 =	vadd.f32 v26, v2;
	v10 =	vmul.f32 v10, v29;
	v16 =	vadd.f32 v57, v6;
	v33 =	vld.idx.msk [tilespmem:v4+s25+$0xFFFFE400], $0xffff  }
0x10c: {  	v31 =	vmul.f32 v23, v3;
	v34 =	vld.idx.msk [tilespmem:v5+s25+$0xFFFFE400], $0xffff;
	v36 =	vadd.f32 v15, v6;
	v38 =	vadd.f32 v61, v2  }
0x10d: {  	v13 =	vmul.f32 v14, v13;
	v24 =	vld.idx.msk [tilespmem:v4+s25+$0xFFFFE800], $0xffff;
	v35 =	vadd.f32 v19, v2;
	[tilespmem:s24+$0xFFFFFE90] =	vst v11  }
0x10e: {  	v37 =	vld.idx.msk [tilespmem:v5+s25+$0xFFFFE800], $0xffff;
	v39 =	vadd.f32 v17, v1;
	v9 =	vadd.f32 v9, v6;
	[tilespmem:s26+$0x180] =	vst v36  }
0x10f: {  	v60 =	vadd.f32 v25, v7;
	[tilespmem:s26+$0x80] =	vst v16;
	v10 =	vadd.f32 v10, v0;
	v43 =	vld.idx.msk [tilespmem:v5+s25+$0x0], $0xffff  }
0x110: {  	v46 =	vadd.f32 v13, v0;
	v41 =	vadd.f32 v59, v1;
	v12 =	vmul.f32 v35, v12;
	v45 =	vld.idx.msk [tilespmem:v5+s25+$0xFFFFF800], $0xffff  }
0x111: {  	v11 =	vadd.f32 v63, v1;
	v14 =	vmul.f32 v62, v39;
	v48 =	vld.idx.msk [tilespmem:v4+s25+$0x0], $0xffff;
	v7 =	vmul.f32 v8, v60  }
0x112: {  	v54 =	vld.idx.msk [tilespmem:v4+s25+$0xFFFFF800], $0xffff;
	[tilespmem:s26+$0x0] =	vst v9;
	v8 =	vmul.f32 v30, v18;
	v9 =	vadd.f32 v31, v2  }
0x113: {  	v32 =	vld.idx.msk [tilespmem:v4+s25+$0xFFFFF400], $0xffff;
	v15 =	vmul.f32 v38, v41;
	v12 =	vadd.f32 v12, v0;
	v7 =	vadd.f32 v7, v6  }
0x114: {  	v44 =	vld.idx.msk [tilespmem:v5+s25+$0xFFFFF400], $0xffff;
	v14 =	vadd.f32 v14, v0;
	v49 =	vmul.f32 v34, v3;
	v51 =	vadd.f32 v33, v1  }
0x115: {  	v8 =	vadd.f32 v8, v0;
	v9 =	vmul.f32 v9, v11;
	v50 =	vadd.f32 v24, v1;
	[tilespmem:s26+$0xFFFFFF00] =	vst v7  }
0x116: {  	[tilespmem:s26+$0xFFFFFF90] =	vst v10;
	v47 =	vadd.f32 v15, v0;
	v10 =	vadd.f32 v49, v2;
	v42 =	vld.idx.msk [tilespmem:v5+s25+$0xFFFFEC00], $0xffff  }
0x117: {  	v7 =	vmul.f32 v37, v3;
	v9 =	vadd.f32 v9, v0;
	v53 =	vmul.f32 v43, v3;
	v40 =	vld.idx.msk [tilespmem:v4+s25+$0xFFFFEC00], $0xffff  }
0x118: {  	[tilespmem:s24+$0xFFFFFE10] =	vst v46;
	v15 =	vadd.f32 v48, v1;
	v60 =	vadd.f32 v54, v1;
	v5 =	vmul.f32 v45, v3  }
0x119: {  	[tilespmem:s24+$0xFFFFFF10] =	vst v8;
	v8 =	vmul.f32 v10, v51;
	v7 =	vadd.f32 v7, v2;
	v52 =	vadd.f32 v32, v1  }
0x11a: {  	[tilespmem:s26+$0x110] =	vst v14;
	v56 =	vmul.f32 v44, v3;
	v57 =	vadd.f32 v53, v2;
	v5 =	vadd.f32 v5, v2  }
0x11b: {  	[tilespmem:s24+$0x10] =	vst v12;
	v62 =	vadd.f32 v8, v0;
	v7 =	vmul.f32 v7, v50;
	v6 =	vmul.f32 v42, v3  }
0x11c: {  	[tilespmem:s24+$0x190] =	vst v47;
	v58 =	vadd.f32 v56, v2;
	v59 =	vmul.f32 v57, v15;
	v55 =	vadd.f32 v40, v1  }
0x11d: {  	s23 =	sadd.s32 $0x1, s23;
	[tilespmem:s24+$0x90] =	vst v9;
	v7 =	vadd.f32 v7, v0;
	v1 =	vmul.f32 v5, v60;
	v6 =	vadd.f32 v6, v2  }
0x11e: {  	p0 =	sne.s32 s23, $0x10;
	[tilespmem:s26+$0xFFFFFE10] =	vst v62;
	v3 =	vadd.f32 v59, v0;
	v2 =	vmul.f32 v58, v52  }
.Ltmp2:
0x11f: {  	[tilespmem:s26+$0xFFFFFE90] =	vst v7;
	v63 =	vadd.f32 v1, v0;
	v6 =	vmul.f32 v6, v55;
	(pc) =	sbr.rel @p0 .LBB2_5-.Ltmp2, $4  }
0x120: {  	[tilespmem:s26+$0x190] =	vst v3;
	v2 =	vadd.f32 v2, v0  }
0x121: {  	[tilespmem:s26+$0x90] =	vst v63;
	v61 =	vadd.f32 v6, v0  }
0x122: {  	[tilespmem:s26+$0x10] =	vst v2  }
0x123: {  	s22 =	sadd.s32 $0x1, s22;
	[tilespmem:s26+$0xFFFFFF10] =	vst v61  }
0x124: {  	p0 =	sne.s32 s16, $0x40  }
.Ltmp3:
0x125: {  	_ = 	snop;
	(pc) =	sbr.rel @p0 .LBB2_2-.Ltmp3, $4  }
0x126: {  	s17 =	sshll.u32 s18, $0x10  }
0x127: {  	s15 =	sshll.u32 s15, $0x9;
	s17 =	sadd.s32 s17, s11  }
0x128: {  	s14 =	sadd.s32 $0x4000, s14;
	s18 =	smov.u32 s16;
	s15 =	sadd.s32 s15, s17  }
0x129: {  	[hbm4b:s15+s9] =	stream.strided.scatter [tilespmem:s19], [sflag:$0x2], $0x4000, s12, s9, $0x38;
	[tilespmem:$0x1D800] =	vst v63  }
0x12a: {  	_ =	swait.ge [sflag:s2], $0x4000  }
0x12b: {  	[sflag:s2] =	ssyncset.done $0x0  }
0x12c: {  	[sflag:s2] =	ssyncadd.s32 $0xFFFFC000  }
0x12d: {  	_ =	swait.ge [sflag:s2], $0x4000  }
0x12e: {  	[sflag:s2] =	ssyncset.done $0x0  }
0x12f: {  	[sflag:s2] =	ssyncadd.s32 $0xFFFFC000  }
0x130: {  	_ =	swait.ge [sflag:s2], $0x4000  }
0x131: {  	s13 =	sadd.s32 $0x1, s13;
	s14 =	rddreg [dreg:$0x6]  }
0x132: {  	p0 =	sne.s32 s13, s14  }
.Ltmp4:
0x133: {  	_ = 	snop;
	(pc) =	sbr.rel @p0 .LBB2_1-.Ltmp4, $3  }
0x134: {  	_ =	sdelay $0x1  }
0x135: {  	[sflag:s2] =	ssyncset.done $0x0  }
0x136: {  	[sflag:s2] =	ssyncadd.s32 $0xFFFFC000  }
0x137: {  	_ =	sfence.sel $0x180000  }
0x138: {  	[bflag:$0x0] =	sbarrier.arrive $0xFFFF  }
0x139: {  	_ =	strace $0x90000047  }
0x13a: {  	s0 =	stileid.u32;
	[bflag:$0x2] =	sbarrier.arrive $0xFFFF  }
0x13b: {  	p0 =	sne.s32 s0, $0x0;
	s0 =	rddreg [dreg:$0x4]  }
0x13c: {  	s0 =	sadd.s32 @!p0 $0x100000, s0  }
0x13d: {  	[sflag:s0] =	ssyncadd.tile.s32 @!p0 $0x1;
	_ =	shalt  }
.Lfunc_end2:
_tile_overlayer_lowered:
.L_overlay_start_2:
0x13e: {  	(tag) =	ssettag $0x2  }
0x13f: {  	s0 =	rddreg [dreg:$0x0];
	s2 =	stileid.u32  }
0x140: {  	s1 =	rddreg [dreg:$0x1];
	p0 =	sne.s32 s2, $0x0  }
0x141: {  	s3 =	rddreg [dreg:$0x2];
	[bflag:$0x3] =	sbarrier.arrive $0xFFFF;
	s2 =	simm.s32 @!p0 $0x1C04  }
0x142: {  	[timem:s3], [sflag:s2] =	dma.local @!p0 [hbm:s0], s1  }
0x143: {  	s0 =	simm.s32 @!p0 $0x4  }
0x144: {  	_ =	swait.ge @!p0 [sflag:s0], s1  }
0x145: {  	s1 =	ssub.s32 @!p0 $0x0, s1;
	[sflag:s0] =	ssyncset.done @!p0 $0x0  }
0x146: {  	[sflag:s0] =	ssyncadd.s32 @!p0 s1  }
0x147: {  	[bflag:$0x3] =	sbarrier.arrive $0xFFFF  }
0x148: {  	_ =	shalt  }

</sc_bundles>
